<compile_context>
chip_gen: v7x
topology: tpu7x:2x2x1
jax: 0.10.2.dev20260603
libtpu: 0.0.44.dev20260713+nightly
codegen_flags: <defaults>
</compile_context>

<pallas_src>
import functools
import math

import numpy as np
import jax
import jax.numpy as jnp
from jax import lax
from jax.experimental import pallas as pl
from jax.experimental.pallas import tpu as pltpu
from jax.experimental.pallas import tpu_sc as plsc

SIZE = 1024
CELL = 8
J = SIZE // CELL
DMODEL = 768
NLEV = 8
VOCAB = 1024
THR = 0.95
B = 128

TB = 16
TB3 = 16


def _build_haar_T() -> np.ndarray:
    T = np.zeros((SIZE, NLEV * J), dtype=np.float32)
    for k in range(NLEV):
        D = 10 - k
        blk = 1 << D
        scale = np.float32(2.0 ** (-D / 2.0))
        for j in range(J):
            m = j >> (7 - k)
            base = m * blk
            T[base:base + blk // 2, k * J + j] = scale
            T[base + blk // 2:base + blk, k * J + j] = -scale
    return T


def _build_pos_emb() -> np.ndarray:
    position = np.arange(J, dtype=np.float32)[:, None]
    div = np.exp(np.arange(0, DMODEL, 2, dtype=np.float32)
                 * (-math.log(10000.0) / DMODEL))
    pe = np.zeros((J, DMODEL), dtype=np.float32)
    pe[:, 0::2] = np.sin(position * div)
    pe[:, 1::2] = np.cos(position * div)
    return pe


_HAAR_T = _build_haar_T()
_POS_EMB = _build_pos_emb()


def _shift_up(a, k, fill):
    pad = jnp.full((k,) + a.shape[1:], fill, a.dtype)
    return jnp.concatenate([a[k:], pad], axis=0)


def _corr_kernel(x_ref, xs_ref, w_ref, t_ref, bi_ref, mask_ref, hc_ref):
    words = w_ref[...]

    mw = jnp.mean(words, axis=1, keepdims=True)
    wc = words - mw
    sw = jnp.sqrt(jnp.mean(wc * wc, axis=1, keepdims=True))

    seg = xs_ref[...]
    ms = jnp.mean(seg, axis=1, keepdims=True)
    sc = seg - ms

    ones_row = jnp.ones((1, CELL), jnp.float32)
    ss2 = lax.dot_general(ones_row, sc * sc, (((1,), (1,)), ((), ())),
                          preferred_element_type=jnp.float32,
                          precision=lax.Precision.HIGHEST)
    ssr = jnp.sqrt(ss2 / CELL)

    cov = lax.dot_general(wc, sc, (((1,), (1,)), ((), ())),
                          preferred_element_type=jnp.float32) / CELL
    denom = sw * ssr
    safe = denom != 0.0
    r = jnp.where(safe, cov / jnp.where(safe, denom, 1.0), 0.0)

    av = jnp.abs(r)
    A = jnp.where(av > THR, av, -1.0)

    S = _shift_up(A, 1, -1.0)
    k = 1
    while k < VOCAB:
        S = jnp.maximum(S, _shift_up(S, k, -1.0))
        k *= 2

    event = A > 0.0
    posr = r > 0.0
    cand = event & ((posr & (A >= S)) | ((~posr) & (S <= THR)))

    iota_v = lax.broadcasted_iota(jnp.int32, r.shape, 0)
    pick = jnp.where(cand, iota_v, 2047)
    first = jnp.min(pick, axis=0)
    found = first < VOCAB
    spread = lax.broadcasted_iota(jnp.int32, (TB * J,), 0)
    bi_ref[...] = jnp.where(found, first, spread)
    mask_ref[...] = jnp.where(found, 1.0, 0.0)

    hc_ref[...] = jnp.dot(x_ref[...], t_ref[...],
                          preferred_element_type=jnp.float32,
                          precision=lax.Precision.HIGHEST)


def _run_corr(X, Xs, words):
    grid = B // TB
    return pl.pallas_call(
        _corr_kernel,
        grid=(grid,),
        in_specs=[
            pl.BlockSpec((TB, SIZE), lambda i: (i, 0)),
            pl.BlockSpec((TB * J, CELL), lambda i: (i, 0)),
            pl.BlockSpec((VOCAB, CELL), lambda i: (0, 0)),
            pl.BlockSpec((SIZE, NLEV * J), lambda i: (0, 0)),
        ],
        out_specs=[
            pl.BlockSpec((TB * J,), lambda i: (i,)),
            pl.BlockSpec((TB * J,), lambda i: (i,)),
            pl.BlockSpec((TB, NLEV * J), lambda i: (i, 0)),
        ],
        out_shape=[
            jax.ShapeDtypeStruct((B * J,), jnp.int32),
            jax.ShapeDtypeStruct((B * J,), jnp.float32),
            jax.ShapeDtypeStruct((B, NLEV * J), jnp.float32),
        ],
    )(X, Xs, words, jnp.asarray(_HAAR_T))


_NC = 2
_NS = 16
_NW = _NC * _NS
_ROWS = B * J
_RPW = _ROWS // _NW
_CHUNK = 64
_NCHUNK = _RPW // _CHUNK


def _sc_gather(table, idx):
    idx3 = idx.reshape(_NW, _NCHUNK, _CHUNK)
    mesh = plsc.VectorSubcoreMesh(core_axis_name="c", subcore_axis_name="s")

    @functools.partial(
        pl.kernel,
        mesh=mesh,
        out_type=jax.ShapeDtypeStruct((_ROWS, DMODEL), jnp.float32),
        scratch_types=[
            pltpu.VMEM((_NCHUNK, _CHUNK), jnp.int32),
            pltpu.VMEM((_CHUNK, DMODEL), jnp.float32),
            pltpu.VMEM((_CHUNK, DMODEL), jnp.float32),
            pltpu.SemaphoreType.DMA,
            pltpu.SemaphoreType.DMA,
            pltpu.SemaphoreType.DMA,
            pltpu.SemaphoreType.DMA,
        ],
    )
    def gather_kernel(table_hbm, idx_hbm, out_hbm, idx_v, rows0, rows1,
                      gsem0, gsem1, osem0, osem1):
        wid = lax.axis_index("s") * _NC + lax.axis_index("c")
        pltpu.sync_copy(idx_hbm.at[wid], idx_v)
        base = wid * _RPW
        bufs = (rows0, rows1)
        gsems = (gsem0, gsem1)
        osems = (osem0, osem1)
        gathers = [None] * _NCHUNK
        outs = [None] * _NCHUNK
        gathers[0] = pltpu.async_copy(
            table_hbm.at[idx_v.at[0]], bufs[0], gsems[0])
        for c in range(_NCHUNK):
            n = c + 1
            if n < _NCHUNK:
                if c >= 1:
                    outs[c - 1].wait()
                gathers[n] = pltpu.async_copy(
                    table_hbm.at[idx_v.at[n]], bufs[n % 2], gsems[n % 2])
            gathers[c].wait()
            outs[c] = pltpu.async_copy(
                bufs[c % 2], out_hbm.at[pl.ds(base + c * _CHUNK, _CHUNK)],
                osems[c % 2])
        outs[_NCHUNK - 2].wait()
        outs[_NCHUNK - 1].wait()

    return gather_kernel(table, idx3)


def _combine_kernel(emb_ref, hck_ref, mask_ref, wh_ref, pos_ref, out_ref):
    n = TB3 * J
    row_j = lax.broadcasted_iota(jnp.int32, (n, J), 0) % J
    lane_j = lax.broadcasted_iota(jnp.int32, (n, J), 1)
    dsel = row_j == lane_j

    hck = hck_ref[...]
    cols = []
    for k in range(NLEV):
        fk = hck[:, k * J:(k + 1) * J]
        yk = jnp.broadcast_to(fk[:, None, :], (TB3, J, J)).reshape(n, J)
        cols.append(jnp.sum(jnp.where(dsel, yk, 0.0), axis=1, keepdims=True))
    hc2 = jnp.concatenate(cols, axis=1)

    mask_blk = mask_ref[...]
    ym = jnp.broadcast_to(mask_blk[:, None, :], (TB3, J, J)).reshape(n, J)
    mcol = jnp.sum(jnp.where(dsel, ym, 0.0), axis=1, keepdims=True)

    he = jnp.dot(hc2, wh_ref[...], preferred_element_type=jnp.float32)
    emb = emb_ref[...].reshape(n, DMODEL)
    pos = jnp.broadcast_to(pos_ref[...][None], (TB3, J, DMODEL)).reshape(n, DMODEL)
    out = (emb + he) * mcol + pos
    out_ref[...] = out.reshape(TB3, J, DMODEL)


def _run_combine(emb, hcK, mask2d, W_haar):
    grid = B // TB3
    return pl.pallas_call(
        _combine_kernel,
        grid=(grid,),
        in_specs=[
            pl.BlockSpec((TB3, J, DMODEL), lambda i: (i, 0, 0)),
            pl.BlockSpec((TB3, NLEV * J), lambda i: (i, 0)),
            pl.BlockSpec((TB3, J), lambda i: (i, 0)),
            pl.BlockSpec((NLEV, DMODEL), lambda i: (0, 0)),
            pl.BlockSpec((J, DMODEL), lambda i: (0, 0)),
        ],
        out_specs=pl.BlockSpec((TB3, J, DMODEL), lambda i: (i, 0, 0)),
        out_shape=jax.ShapeDtypeStruct((B, J, DMODEL), jnp.float32),
    )(emb, hcK, mask2d, W_haar, jnp.asarray(_POS_EMB))


def kernel(X, words, W_word, W_haar):
    Xs = X.reshape(B * J, CELL)
    bi, mask, hcK = _run_corr(X, Xs, words)
    emb = _sc_gather(W_word, bi)
    emb = emb.reshape(B, J, DMODEL)
    return _run_combine(emb, hcK, mask.reshape(B, J), W_haar)

# --- scband reference (transcript-rebuilt; emitter-appended) ---
"""Pipeline reference for scband-hitsbe-37546604102113 (READ-ONLY COPY).

The authoritative reference and input builder live on the scoring server;
editing this copy changes nothing except your own understanding.
"""

import jax, jax.numpy as jnp
import numpy as np
import math

SIZE = 1024
CELL = 8
DIM_SEQ = SIZE // CELL  # 128
DMODEL = 768
NLEV = int(np.log2(DIM_SEQ)) + 1  # 8
VOCAB = 1024
THR = 0.95
B = 128


def setup_inputs(seed: int = 0) -> dict:
    key = jax.random.key(seed)
    k1, k2, k3, k4 = jax.random.split(key, 4)
    X = jax.random.normal(k1, (B, SIZE), dtype=jnp.float32)
    words = jax.random.normal(k2, (VOCAB, CELL), dtype=jnp.float32)
    W_word = jax.random.normal(k3, (VOCAB, DMODEL), dtype=jnp.float32) * 0.02
    W_haar = jax.random.normal(k4, (NLEV, DMODEL), dtype=jnp.float32)
    return {"X": X, "words": words, "W_word": W_word, "W_haar": W_haar}


def _pos_emb():
    position = jnp.arange(DIM_SEQ, dtype=jnp.float32)[:, None]
    div = jnp.exp(jnp.arange(0, DMODEL, 2, dtype=jnp.float32) * (-math.log(10000.0) / DMODEL))
    pe = jnp.zeros((DIM_SEQ, DMODEL), dtype=jnp.float32)
    pe = pe.at[:, 0::2].set(jnp.sin(position * div))
    pe = pe.at[:, 1::2].set(jnp.cos(position * div))
    return pe


def _haar_details(x):
    # pywt.wavedec(x, 'haar') full depth on len 1024 -> [cA10, cD10, ..., cD1]
    # slice [1:NLEV+1] -> [cD10, cD9, ..., cD3] with lengths 1,2,4,...,128
    cur = x
    details = []
    s2 = jnp.sqrt(jnp.float32(2.0))
    for _ in range(10):
        a = (cur[:, ::2] + cur[:, 1::2]) / s2
        d = (cur[:, ::2] - cur[:, 1::2]) / s2
        details.append(d)
        cur = a
    return [details[9 - k] for k in range(NLEV)]


def _forward(X, words, W_word, W_haar):
    b = X.shape[0]
    segs = X.reshape(b, DIM_SEQ, CELL)
    ms = segs.mean(-1, keepdims=True)
    ss = jnp.std(segs, axis=-1)  # biased, matches unbiased=False
    mw = words.mean(-1, keepdims=True)
    sw = jnp.std(words, axis=-1)
    sc = segs - ms
    wc = words - mw
    cov = jnp.einsum('vk,bjk->vbj', wc, sc) / CELL  # [V,B,J]
    denom = sw[:, None, None] * ss[None, :, :]
    safe = denom != 0
    r = jnp.where(safe, cov / jnp.where(safe, denom, 1.0), 0.0)

    # sequential vocabulary loop semantics: replace when stored signed corr < |c| and |c| > THR
    def step(carry, inp):
        bi, bc = carry
        i, c = inp
        cond = (bc < jnp.abs(c)) & (jnp.abs(c) > THR)
        return (jnp.where(cond, i, bi), jnp.where(cond, c, bc)), None

    init = (jnp.full((b, DIM_SEQ), -1, dtype=jnp.int32),
            jnp.full((b, DIM_SEQ), -jnp.inf, dtype=jnp.float32))
    (bi, bc), _ = jax.lax.scan(step, init, (jnp.arange(words.shape[0], dtype=jnp.int32), r))
    mask = (bi >= 0).astype(jnp.float32)

    word_embed = jnp.take(W_word, jnp.clip(bi, 0, None), axis=0) * mask[..., None]

    details = _haar_details(X)
    cols = []
    for coef in details:
        L = coef.shape[1]
        idx = (jnp.arange(DIM_SEQ) * L) // DIM_SEQ  # int(i // (dim_seq/len))
        cols.append(coef[:, idx])
    hc = jnp.stack(cols, axis=-1) * mask[..., None]  # [B, J, NLEV]
    haar_embed = hc @ W_haar  # [B, J, DMODEL]

    return word_embed + _pos_emb()[None] + haar_embed


def reference(X, words, W_word, W_haar):
    return _forward(X, words, W_word, W_haar)

if __name__ == "__main__":
    import jax
    _d = setup_inputs()
    print(jax.jit(kernel)(*tuple(_d.values())))

</pallas_src>

<mosaic_0001>
#map = affine_map<(d0, d1) -> (0, 0)>
#map1 = affine_map<(d0, d1) -> (0, 0, 0)>
module attributes {stable_mosaic.version = 14 : i64} {
  func.func @gather_kernel(%arg0: i32, %arg1: i32, %arg2: memref<1024x768xf32, #tpu.memory_space<hbm>>, %arg3: memref<32x8x64xi32, #tpu.memory_space<hbm>>, %arg4: memref<16384x768xf32, #tpu.memory_space<hbm>>, %arg5: memref<8x64xi32, #tpu.memory_space<vmem>>, %arg6: memref<64x768xf32, #tpu.memory_space<vmem>>, %arg7: memref<64x768xf32, #tpu.memory_space<vmem>>, %arg8: memref<!tpu.dma_semaphore, #tpu.memory_space<semaphore_mem>>, %arg9: memref<!tpu.dma_semaphore, #tpu.memory_space<semaphore_mem>>, %arg10: memref<!tpu.dma_semaphore, #tpu.memory_space<semaphore_mem>>, %arg11: memref<!tpu.dma_semaphore, #tpu.memory_space<semaphore_mem>>) attributes {dimension_semantics = [#tpu.dimension_semantics<core_parallel>, #tpu.dimension_semantics<subcore_parallel>], iteration_bounds = array<i64: 2, 16>, scalar_prefetch = 0 : i64, scratch_operands = 7 : i64, tpu.core_type = #tpu.core_type<sc_vector_subcore>, window_params = [{transform_indices = #map}, {transform_indices = #map1}, {transform_indices = #map}]} {
    %mul3A = arith.constant 2 : i32
    %mul3A_0 = arith.muli %arg1, %mul3A : i32
    %add3A = arith.addi %mul3A_0, %arg0 : i32
    "tpu.region"() ({
      %run_scoped3A = tpu.sem_alloc : memref<!tpu.dma_semaphore, #tpu.memory_space<semaphore_mem>>
      %dma_start3A_193 = arith.constant 0 : i32
      %dma_start3A_194 = arith.constant 0 : i32
      %dma_start3A_195 = tpu.memref_slice %arg3[%add3A, %dma_start3A_193, %dma_start3A_194] : memref<32x8x64xi32, #tpu.memory_space<hbm>> -> memref<1x8x64xi32, #tpu.memory_space<hbm>>
      %dma_start3A_196 = tpu.memref_squeeze %dma_start3A_195 : memref<1x8x64xi32, #tpu.memory_space<hbm>> -> memref<8x64xi32, #tpu.memory_space<hbm>>
      %dma_start3A_197 = arith.constant 0 : i32
      %dma_start3A_198 = arith.constant 0 : i32
      %dma_start3A_199 = tpu.memref_slice %arg3[%add3A, %dma_start3A_197, %dma_start3A_198] : memref<32x8x64xi32, #tpu.memory_space<hbm>> -> memref<1x8x64xi32, #tpu.memory_space<hbm>>
      %dma_start3A_200 = tpu.memref_squeeze %dma_start3A_199 : memref<1x8x64xi32, #tpu.memory_space<hbm>> -> memref<8x64xi32, #tpu.memory_space<hbm>>
      tpu.enqueue_dma source(%dma_start3A_200 : memref<8x64xi32, #tpu.memory_space<hbm>>) target(%arg5 : memref<8x64xi32, #tpu.memory_space<vmem>>) target_semaphore(%run_scoped3A : memref<!tpu.dma_semaphore, #tpu.memory_space<semaphore_mem>>)
      %dma_wait3A_201 = arith.constant 0 : i32
      %dma_wait3A_202 = arith.constant 0 : i32
      %dma_wait3A_203 = tpu.memref_slice %arg3[%add3A, %dma_wait3A_201, %dma_wait3A_202] : memref<32x8x64xi32, #tpu.memory_space<hbm>> -> memref<1x8x64xi32, #tpu.memory_space<hbm>>
      %dma_wait3A_204 = tpu.memref_squeeze %dma_wait3A_203 : memref<1x8x64xi32, #tpu.memory_space<hbm>> -> memref<8x64xi32, #tpu.memory_space<hbm>>
      %dma_wait3A_205 = arith.constant 0 : i32
      %dma_wait3A_206 = arith.constant 0 : i32
      %dma_wait3A_207 = tpu.memref_slice %arg3[%add3A, %dma_wait3A_205, %dma_wait3A_206] : memref<32x8x64xi32, #tpu.memory_space<hbm>> -> memref<1x8x64xi32, #tpu.memory_space<hbm>>
      %dma_wait3A_208 = tpu.memref_squeeze %dma_wait3A_207 : memref<1x8x64xi32, #tpu.memory_space<hbm>> -> memref<8x64xi32, #tpu.memory_space<hbm>>
      tpu.wait_dma2 semaphore(%run_scoped3A : memref<!tpu.dma_semaphore, #tpu.memory_space<semaphore_mem>>) src(%dma_wait3A_208 : memref<8x64xi32, #tpu.memory_space<hbm>>) dst(%arg5 : memref<8x64xi32, #tpu.memory_space<vmem>>)
      tpu.yield
    }) : () -> ()
    %mul3A_1 = arith.constant 512 : i32
    %mul3A_2 = arith.muli %add3A, %mul3A_1 : i32
    %dma_start3A = arith.constant 0 : i32
    %dma_start3A_3 = arith.constant 0 : i32
    %dma_start3A_4 = tpu.memref_slice %arg5[%dma_start3A, %dma_start3A_3] : memref<8x64xi32, #tpu.memory_space<vmem>> -> memref<1x64xi32, #tpu.memory_space<vmem>>
    %dma_start3A_5 = tpu.memref_squeeze %dma_start3A_4 : memref<1x64xi32, #tpu.memory_space<vmem>> -> memref<64xi32, #tpu.memory_space<vmem>>
    %dma_start3A_6 = arith.constant 0 : i32
    %dma_start3A_7 = arith.constant 0 : i32
    %dma_start3A_8 = tpu.memref_slice %arg2[%dma_start3A_6, %dma_start3A_7] : memref<1024x768xf32, #tpu.memory_space<hbm>> -> memref<1024x768xf32, #tpu.memory_space<hbm>>
    tpu.enqueue_indirect_dma source(%dma_start3A_8 : memref<1024x768xf32, #tpu.memory_space<hbm>>) target(%arg6 : memref<64x768xf32, #tpu.memory_space<vmem>>) offsets(%dma_start3A_5 : memref<64xi32, #tpu.memory_space<vmem>>) semaphore(%arg8 : memref<!tpu.dma_semaphore, #tpu.memory_space<semaphore_mem>>)
    %dma_start3A_9 = arith.constant 1 : i32
    %dma_start3A_10 = arith.constant 0 : i32
    %dma_start3A_11 = tpu.memref_slice %arg5[%dma_start3A_9, %dma_start3A_10] : memref<8x64xi32, #tpu.memory_space<vmem>> -> memref<1x64xi32, #tpu.memory_space<vmem>>
    %dma_start3A_12 = tpu.memref_squeeze %dma_start3A_11 : memref<1x64xi32, #tpu.memory_space<vmem>> -> memref<64xi32, #tpu.memory_space<vmem>>
    %dma_start3A_13 = arith.constant 0 : i32
    %dma_start3A_14 = arith.constant 0 : i32
    %dma_start3A_15 = tpu.memref_slice %arg2[%dma_start3A_13, %dma_start3A_14] : memref<1024x768xf32, #tpu.memory_space<hbm>> -> memref<1024x768xf32, #tpu.memory_space<hbm>>
    tpu.enqueue_indirect_dma source(%dma_start3A_15 : memref<1024x768xf32, #tpu.memory_space<hbm>>) target(%arg7 : memref<64x768xf32, #tpu.memory_space<vmem>>) offsets(%dma_start3A_12 : memref<64xi32, #tpu.memory_space<vmem>>) semaphore(%arg9 : memref<!tpu.dma_semaphore, #tpu.memory_space<semaphore_mem>>)
    %dma_wait3A = arith.constant 0 : i32
    %dma_wait3A_16 = arith.constant 0 : i32
    %dma_wait3A_17 = tpu.memref_slice %arg5[%dma_wait3A, %dma_wait3A_16] : memref<8x64xi32, #tpu.memory_space<vmem>> -> memref<1x64xi32, #tpu.memory_space<vmem>>
    %dma_wait3A_18 = tpu.memref_squeeze %dma_wait3A_17 : memref<1x64xi32, #tpu.memory_space<vmem>> -> memref<64xi32, #tpu.memory_space<vmem>>
    %dma_wait3A_19 = arith.constant 0 : i32
    %dma_wait3A_20 = arith.constant 0 : i32
    %dma_wait3A_21 = tpu.memref_slice %arg2[%dma_wait3A_19, %dma_wait3A_20] : memref<1024x768xf32, #tpu.memory_space<hbm>> -> memref<1024x768xf32, #tpu.memory_space<hbm>>
    tpu.wait_indirect_dma semaphore(%arg8 : memref<!tpu.dma_semaphore, #tpu.memory_space<semaphore_mem>>) src(%dma_wait3A_21 : memref<1024x768xf32, #tpu.memory_space<hbm>>) dst(%arg6 : memref<64x768xf32, #tpu.memory_space<vmem>>)
    %add3A_22 = arith.constant 0 : i32
    %add3A_23 = arith.addi %mul3A_2, %add3A_22 : i32
    %dma_start3A_24 = arith.constant 0 : i32
    %dma_start3A_25 = tpu.memref_slice %arg4[%add3A_23, %dma_start3A_24] : memref<16384x768xf32, #tpu.memory_space<hbm>> -> memref<64x768xf32, #tpu.memory_space<hbm>>
    %dma_start3A_26 = arith.constant 0 : i32
    %dma_start3A_27 = tpu.memref_slice %arg4[%add3A_23, %dma_start3A_26] : memref<16384x768xf32, #tpu.memory_space<hbm>> -> memref<64x768xf32, #tpu.memory_space<hbm>>
    tpu.enqueue_dma source(%arg6 : memref<64x768xf32, #tpu.memory_space<vmem>>) target(%dma_start3A_27 : memref<64x768xf32, #tpu.memory_space<hbm>>) target_semaphore(%arg10 : memref<!tpu.dma_semaphore, #tpu.memory_space<semaphore_mem>>)
    %dma_wait3A_28 = arith.constant 0 : i32
    %dma_wait3A_29 = tpu.memref_slice %arg4[%add3A_23, %dma_wait3A_28] : memref<16384x768xf32, #tpu.memory_space<hbm>> -> memref<64x768xf32, #tpu.memory_space<hbm>>
    %dma_wait3A_30 = arith.constant 0 : i32
    %dma_wait3A_31 = tpu.memref_slice %arg4[%add3A_23, %dma_wait3A_30] : memref<16384x768xf32, #tpu.memory_space<hbm>> -> memref<64x768xf32, #tpu.memory_space<hbm>>
    tpu.wait_dma2 semaphore(%arg10 : memref<!tpu.dma_semaphore, #tpu.memory_space<semaphore_mem>>) src(%arg6 : memref<64x768xf32, #tpu.memory_space<vmem>>) dst(%dma_wait3A_31 : memref<64x768xf32, #tpu.memory_space<hbm>>)
    %dma_start3A_32 = arith.constant 2 : i32
    %dma_start3A_33 = arith.constant 0 : i32
    %dma_start3A_34 = tpu.memref_slice %arg5[%dma_start3A_32, %dma_start3A_33] : memref<8x64xi32, #tpu.memory_space<vmem>> -> memref<1x64xi32, #tpu.memory_space<vmem>>
    %dma_start3A_35 = tpu.memref_squeeze %dma_start3A_34 : memref<1x64xi32, #tpu.memory_space<vmem>> -> memref<64xi32, #tpu.memory_space<vmem>>
    %dma_start3A_36 = arith.constant 0 : i32
    %dma_start3A_37 = arith.constant 0 : i32
    %dma_start3A_38 = tpu.memref_slice %arg2[%dma_start3A_36, %dma_start3A_37] : memref<1024x768xf32, #tpu.memory_space<hbm>> -> memref<1024x768xf32, #tpu.memory_space<hbm>>
    tpu.enqueue_indirect_dma source(%dma_start3A_38 : memref<1024x768xf32, #tpu.memory_space<hbm>>) target(%arg6 : memref<64x768xf32, #tpu.memory_space<vmem>>) offsets(%dma_start3A_35 : memref<64xi32, #tpu.memory_space<vmem>>) semaphore(%arg8 : memref<!tpu.dma_semaphore, #tpu.memory_space<semaphore_mem>>)
    %dma_wait3A_39 = arith.constant 1 : i32
    %dma_wait3A_40 = arith.constant 0 : i32
    %dma_wait3A_41 = tpu.memref_slice %arg5[%dma_wait3A_39, %dma_wait3A_40] : memref<8x64xi32, #tpu.memory_space<vmem>> -> memref<1x64xi32, #tpu.memory_space<vmem>>
    %dma_wait3A_42 = tpu.memref_squeeze %dma_wait3A_41 : memref<1x64xi32, #tpu.memory_space<vmem>> -> memref<64xi32, #tpu.memory_space<vmem>>
    %dma_wait3A_43 = arith.constant 0 : i32
    %dma_wait3A_44 = arith.constant 0 : i32
    %dma_wait3A_45 = tpu.memref_slice %arg2[%dma_wait3A_43, %dma_wait3A_44] : memref<1024x768xf32, #tpu.memory_space<hbm>> -> memref<1024x768xf32, #tpu.memory_space<hbm>>
    tpu.wait_indirect_dma semaphore(%arg9 : memref<!tpu.dma_semaphore, #tpu.memory_space<semaphore_mem>>) src(%dma_wait3A_45 : memref<1024x768xf32, #tpu.memory_space<hbm>>) dst(%arg7 : memref<64x768xf32, #tpu.memory_space<vmem>>)
    %add3A_46 = arith.constant 64 : i32
    %add3A_47 = arith.addi %mul3A_2, %add3A_46 : i32
    %dma_start3A_48 = arith.constant 0 : i32
    %dma_start3A_49 = tpu.memref_slice %arg4[%add3A_47, %dma_start3A_48] : memref<16384x768xf32, #tpu.memory_space<hbm>> -> memref<64x768xf32, #tpu.memory_space<hbm>>
    %dma_start3A_50 = arith.constant 0 : i32
    %dma_start3A_51 = tpu.memref_slice %arg4[%add3A_47, %dma_start3A_50] : memref<16384x768xf32, #tpu.memory_space<hbm>> -> memref<64x768xf32, #tpu.memory_space<hbm>>
    tpu.enqueue_dma source(%arg7 : memref<64x768xf32, #tpu.memory_space<vmem>>) target(%dma_start3A_51 : memref<64x768xf32, #tpu.memory_space<hbm>>) target_semaphore(%arg11 : memref<!tpu.dma_semaphore, #tpu.memory_space<semaphore_mem>>)
    %dma_wait3A_52 = arith.constant 0 : i32
    %dma_wait3A_53 = tpu.memref_slice %arg4[%add3A_47, %dma_wait3A_52] : memref<16384x768xf32, #tpu.memory_space<hbm>> -> memref<64x768xf32, #tpu.memory_space<hbm>>
    %dma_wait3A_54 = arith.constant 0 : i32
    %dma_wait3A_55 = tpu.memref_slice %arg4[%add3A_47, %dma_wait3A_54] : memref<16384x768xf32, #tpu.memory_space<hbm>> -> memref<64x768xf32, #tpu.memory_space<hbm>>
    tpu.wait_dma2 semaphore(%arg11 : memref<!tpu.dma_semaphore, #tpu.memory_space<semaphore_mem>>) src(%arg7 : memref<64x768xf32, #tpu.memory_space<vmem>>) dst(%dma_wait3A_55 : memref<64x768xf32, #tpu.memory_space<hbm>>)
    %dma_start3A_56 = arith.constant 3 : i32
    %dma_start3A_57 = arith.constant 0 : i32
    %dma_start3A_58 = tpu.memref_slice %arg5[%dma_start3A_56, %dma_start3A_57] : memref<8x64xi32, #tpu.memory_space<vmem>> -> memref<1x64xi32, #tpu.memory_space<vmem>>
    %dma_start3A_59 = tpu.memref_squeeze %dma_start3A_58 : memref<1x64xi32, #tpu.memory_space<vmem>> -> memref<64xi32, #tpu.memory_space<vmem>>
    %dma_start3A_60 = arith.constant 0 : i32
    %dma_start3A_61 = arith.constant 0 : i32
    %dma_start3A_62 = tpu.memref_slice %arg2[%dma_start3A_60, %dma_start3A_61] : memref<1024x768xf32, #tpu.memory_space<hbm>> -> memref<1024x768xf32, #tpu.memory_space<hbm>>
    tpu.enqueue_indirect_dma source(%dma_start3A_62 : memref<1024x768xf32, #tpu.memory_space<hbm>>) target(%arg7 : memref<64x768xf32, #tpu.memory_space<vmem>>) offsets(%dma_start3A_59 : memref<64xi32, #tpu.memory_space<vmem>>) semaphore(%arg9 : memref<!tpu.dma_semaphore, #tpu.memory_space<semaphore_mem>>)
    %dma_wait3A_63 = arith.constant 2 : i32
    %dma_wait3A_64 = arith.constant 0 : i32
    %dma_wait3A_65 = tpu.memref_slice %arg5[%dma_wait3A_63, %dma_wait3A_64] : memref<8x64xi32, #tpu.memory_space<vmem>> -> memref<1x64xi32, #tpu.memory_space<vmem>>
    %dma_wait3A_66 = tpu.memref_squeeze %dma_wait3A_65 : memref<1x64xi32, #tpu.memory_space<vmem>> -> memref<64xi32, #tpu.memory_space<vmem>>
    %dma_wait3A_67 = arith.constant 0 : i32
    %dma_wait3A_68 = arith.constant 0 : i32
    %dma_wait3A_69 = tpu.memref_slice %arg2[%dma_wait3A_67, %dma_wait3A_68] : memref<1024x768xf32, #tpu.memory_space<hbm>> -> memref<1024x768xf32, #tpu.memory_space<hbm>>
    tpu.wait_indirect_dma semaphore(%arg8 : memref<!tpu.dma_semaphore, #tpu.memory_space<semaphore_mem>>) src(%dma_wait3A_69 : memref<1024x768xf32, #tpu.memory_space<hbm>>) dst(%arg6 : memref<64x768xf32, #tpu.memory_space<vmem>>)
    %add3A_70 = arith.constant 128 : i32
    %add3A_71 = arith.addi %mul3A_2, %add3A_70 : i32
    %dma_start3A_72 = arith.constant 0 : i32
    %dma_start3A_73 = tpu.memref_slice %arg4[%add3A_71, %dma_start3A_72] : memref<16384x768xf32, #tpu.memory_space<hbm>> -> memref<64x768xf32, #tpu.memory_space<hbm>>
    %dma_start3A_74 = arith.constant 0 : i32
    %dma_start3A_75 = tpu.memref_slice %arg4[%add3A_71, %dma_start3A_74] : memref<16384x768xf32, #tpu.memory_space<hbm>> -> memref<64x768xf32, #tpu.memory_space<hbm>>
    tpu.enqueue_dma source(%arg6 : memref<64x768xf32, #tpu.memory_space<vmem>>) target(%dma_start3A_75 : memref<64x768xf32, #tpu.memory_space<hbm>>) target_semaphore(%arg10 : memref<!tpu.dma_semaphore, #tpu.memory_space<semaphore_mem>>)
    %dma_wait3A_76 = arith.constant 0 : i32
    %dma_wait3A_77 = tpu.memref_slice %arg4[%add3A_71, %dma_wait3A_76] : memref<16384x768xf32, #tpu.memory_space<hbm>> -> memref<64x768xf32, #tpu.memory_space<hbm>>
    %dma_wait3A_78 = arith.constant 0 : i32
    %dma_wait3A_79 = tpu.memref_slice %arg4[%add3A_71, %dma_wait3A_78] : memref<16384x768xf32, #tpu.memory_space<hbm>> -> memref<64x768xf32, #tpu.memory_space<hbm>>
    tpu.wait_dma2 semaphore(%arg10 : memref<!tpu.dma_semaphore, #tpu.memory_space<semaphore_mem>>) src(%arg6 : memref<64x768xf32, #tpu.memory_space<vmem>>) dst(%dma_wait3A_79 : memref<64x768xf32, #tpu.memory_space<hbm>>)
    %dma_start3A_80 = arith.constant 4 : i32
    %dma_start3A_81 = arith.constant 0 : i32
    %dma_start3A_82 = tpu.memref_slice %arg5[%dma_start3A_80, %dma_start3A_81] : memref<8x64xi32, #tpu.memory_space<vmem>> -> memref<1x64xi32, #tpu.memory_space<vmem>>
    %dma_start3A_83 = tpu.memref_squeeze %dma_start3A_82 : memref<1x64xi32, #tpu.memory_space<vmem>> -> memref<64xi32, #tpu.memory_space<vmem>>
    %dma_start3A_84 = arith.constant 0 : i32
    %dma_start3A_85 = arith.constant 0 : i32
    %dma_start3A_86 = tpu.memref_slice %arg2[%dma_start3A_84, %dma_start3A_85] : memref<1024x768xf32, #tpu.memory_space<hbm>> -> memref<1024x768xf32, #tpu.memory_space<hbm>>
    tpu.enqueue_indirect_dma source(%dma_start3A_86 : memref<1024x768xf32, #tpu.memory_space<hbm>>) target(%arg6 : memref<64x768xf32, #tpu.memory_space<vmem>>) offsets(%dma_start3A_83 : memref<64xi32, #tpu.memory_space<vmem>>) semaphore(%arg8 : memref<!tpu.dma_semaphore, #tpu.memory_space<semaphore_mem>>)
    %dma_wait3A_87 = arith.constant 3 : i32
    %dma_wait3A_88 = arith.constant 0 : i32
    %dma_wait3A_89 = tpu.memref_slice %arg5[%dma_wait3A_87, %dma_wait3A_88] : memref<8x64xi32, #tpu.memory_space<vmem>> -> memref<1x64xi32, #tpu.memory_space<vmem>>
    %dma_wait3A_90 = tpu.memref_squeeze %dma_wait3A_89 : memref<1x64xi32, #tpu.memory_space<vmem>> -> memref<64xi32, #tpu.memory_space<vmem>>
    %dma_wait3A_91 = arith.constant 0 : i32
    %dma_wait3A_92 = arith.constant 0 : i32
    %dma_wait3A_93 = tpu.memref_slice %arg2[%dma_wait3A_91, %dma_wait3A_92] : memref<1024x768xf32, #tpu.memory_space<hbm>> -> memref<1024x768xf32, #tpu.memory_space<hbm>>
    tpu.wait_indirect_dma semaphore(%arg9 : memref<!tpu.dma_semaphore, #tpu.memory_space<semaphore_mem>>) src(%dma_wait3A_93 : memref<1024x768xf32, #tpu.memory_space<hbm>>) dst(%arg7 : memref<64x768xf32, #tpu.memory_space<vmem>>)
    %add3A_94 = arith.constant 192 : i32
    %add3A_95 = arith.addi %mul3A_2, %add3A_94 : i32
    %dma_start3A_96 = arith.constant 0 : i32
    %dma_start3A_97 = tpu.memref_slice %arg4[%add3A_95, %dma_start3A_96] : memref<16384x768xf32, #tpu.memory_space<hbm>> -> memref<64x768xf32, #tpu.memory_space<hbm>>
    %dma_start3A_98 = arith.constant 0 : i32
    %dma_start3A_99 = tpu.memref_slice %arg4[%add3A_95, %dma_start3A_98] : memref<16384x768xf32, #tpu.memory_space<hbm>> -> memref<64x768xf32, #tpu.memory_space<hbm>>
    tpu.enqueue_dma source(%arg7 : memref<64x768xf32, #tpu.memory_space<vmem>>) target(%dma_start3A_99 : memref<64x768xf32, #tpu.memory_space<hbm>>) target_semaphore(%arg11 : memref<!tpu.dma_semaphore, #tpu.memory_space<semaphore_mem>>)
    %dma_wait3A_100 = arith.constant 0 : i32
    %dma_wait3A_101 = tpu.memref_slice %arg4[%add3A_95, %dma_wait3A_100] : memref<16384x768xf32, #tpu.memory_space<hbm>> -> memref<64x768xf32, #tpu.memory_space<hbm>>
    %dma_wait3A_102 = arith.constant 0 : i32
    %dma_wait3A_103 = tpu.memref_slice %arg4[%add3A_95, %dma_wait3A_102] : memref<16384x768xf32, #tpu.memory_space<hbm>> -> memref<64x768xf32, #tpu.memory_space<hbm>>
    tpu.wait_dma2 semaphore(%arg11 : memref<!tpu.dma_semaphore, #tpu.memory_space<semaphore_mem>>) src(%arg7 : memref<64x768xf32, #tpu.memory_space<vmem>>) dst(%dma_wait3A_103 : memref<64x768xf32, #tpu.memory_space<hbm>>)
    %dma_start3A_104 = arith.constant 5 : i32
    %dma_start3A_105 = arith.constant 0 : i32
    %dma_start3A_106 = tpu.memref_slice %arg5[%dma_start3A_104, %dma_start3A_105] : memref<8x64xi32, #tpu.memory_space<vmem>> -> memref<1x64xi32, #tpu.memory_space<vmem>>
    %dma_start3A_107 = tpu.memref_squeeze %dma_start3A_106 : memref<1x64xi32, #tpu.memory_space<vmem>> -> memref<64xi32, #tpu.memory_space<vmem>>
    %dma_start3A_108 = arith.constant 0 : i32
    %dma_start3A_109 = arith.constant 0 : i32
    %dma_start3A_110 = tpu.memref_slice %arg2[%dma_start3A_108, %dma_start3A_109] : memref<1024x768xf32, #tpu.memory_space<hbm>> -> memref<1024x768xf32, #tpu.memory_space<hbm>>
    tpu.enqueue_indirect_dma source(%dma_start3A_110 : memref<1024x768xf32, #tpu.memory_space<hbm>>) target(%arg7 : memref<64x768xf32, #tpu.memory_space<vmem>>) offsets(%dma_start3A_107 : memref<64xi32, #tpu.memory_space<vmem>>) semaphore(%arg9 : memref<!tpu.dma_semaphore, #tpu.memory_space<semaphore_mem>>)
    %dma_wait3A_111 = arith.constant 4 : i32
    %dma_wait3A_112 = arith.constant 0 : i32
    %dma_wait3A_113 = tpu.memref_slice %arg5[%dma_wait3A_111, %dma_wait3A_112] : memref<8x64xi32, #tpu.memory_space<vmem>> -> memref<1x64xi32, #tpu.memory_space<vmem>>
    %dma_wait3A_114 = tpu.memref_squeeze %dma_wait3A_113 : memref<1x64xi32, #tpu.memory_space<vmem>> -> memref<64xi32, #tpu.memory_space<vmem>>
    %dma_wait3A_115 = arith.constant 0 : i32
    %dma_wait3A_116 = arith.constant 0 : i32
    %dma_wait3A_117 = tpu.memref_slice %arg2[%dma_wait3A_115, %dma_wait3A_116] : memref<1024x768xf32, #tpu.memory_space<hbm>> -> memref<1024x768xf32, #tpu.memory_space<hbm>>
    tpu.wait_indirect_dma semaphore(%arg8 : memref<!tpu.dma_semaphore, #tpu.memory_space<semaphore_mem>>) src(%dma_wait3A_117 : memref<1024x768xf32, #tpu.memory_space<hbm>>) dst(%arg6 : memref<64x768xf32, #tpu.memory_space<vmem>>)
    %add3A_118 = arith.constant 256 : i32
    %add3A_119 = arith.addi %mul3A_2, %add3A_118 : i32
    %dma_start3A_120 = arith.constant 0 : i32
    %dma_start3A_121 = tpu.memref_slice %arg4[%add3A_119, %dma_start3A_120] : memref<16384x768xf32, #tpu.memory_space<hbm>> -> memref<64x768xf32, #tpu.memory_space<hbm>>
    %dma_start3A_122 = arith.constant 0 : i32
    %dma_start3A_123 = tpu.memref_slice %arg4[%add3A_119, %dma_start3A_122] : memref<16384x768xf32, #tpu.memory_space<hbm>> -> memref<64x768xf32, #tpu.memory_space<hbm>>
    tpu.enqueue_dma source(%arg6 : memref<64x768xf32, #tpu.memory_space<vmem>>) target(%dma_start3A_123 : memref<64x768xf32, #tpu.memory_space<hbm>>) target_semaphore(%arg10 : memref<!tpu.dma_semaphore, #tpu.memory_space<semaphore_mem>>)
    %dma_wait3A_124 = arith.constant 0 : i32
    %dma_wait3A_125 = tpu.memref_slice %arg4[%add3A_119, %dma_wait3A_124] : memref<16384x768xf32, #tpu.memory_space<hbm>> -> memref<64x768xf32, #tpu.memory_space<hbm>>
    %dma_wait3A_126 = arith.constant 0 : i32
    %dma_wait3A_127 = tpu.memref_slice %arg4[%add3A_119, %dma_wait3A_126] : memref<16384x768xf32, #tpu.memory_space<hbm>> -> memref<64x768xf32, #tpu.memory_space<hbm>>
    tpu.wait_dma2 semaphore(%arg10 : memref<!tpu.dma_semaphore, #tpu.memory_space<semaphore_mem>>) src(%arg6 : memref<64x768xf32, #tpu.memory_space<vmem>>) dst(%dma_wait3A_127 : memref<64x768xf32, #tpu.memory_space<hbm>>)
    %dma_start3A_128 = arith.constant 6 : i32
    %dma_start3A_129 = arith.constant 0 : i32
    %dma_start3A_130 = tpu.memref_slice %arg5[%dma_start3A_128, %dma_start3A_129] : memref<8x64xi32, #tpu.memory_space<vmem>> -> memref<1x64xi32, #tpu.memory_space<vmem>>
    %dma_start3A_131 = tpu.memref_squeeze %dma_start3A_130 : memref<1x64xi32, #tpu.memory_space<vmem>> -> memref<64xi32, #tpu.memory_space<vmem>>
    %dma_start3A_132 = arith.constant 0 : i32
    %dma_start3A_133 = arith.constant 0 : i32
    %dma_start3A_134 = tpu.memref_slice %arg2[%dma_start3A_132, %dma_start3A_133] : memref<1024x768xf32, #tpu.memory_space<hbm>> -> memref<1024x768xf32, #tpu.memory_space<hbm>>
    tpu.enqueue_indirect_dma source(%dma_start3A_134 : memref<1024x768xf32, #tpu.memory_space<hbm>>) target(%arg6 : memref<64x768xf32, #tpu.memory_space<vmem>>) offsets(%dma_start3A_131 : memref<64xi32, #tpu.memory_space<vmem>>) semaphore(%arg8 : memref<!tpu.dma_semaphore, #tpu.memory_space<semaphore_mem>>)
    %dma_wait3A_135 = arith.constant 5 : i32
    %dma_wait3A_136 = arith.constant 0 : i32
    %dma_wait3A_137 = tpu.memref_slice %arg5[%dma_wait3A_135, %dma_wait3A_136] : memref<8x64xi32, #tpu.memory_space<vmem>> -> memref<1x64xi32, #tpu.memory_space<vmem>>
    %dma_wait3A_138 = tpu.memref_squeeze %dma_wait3A_137 : memref<1x64xi32, #tpu.memory_space<vmem>> -> memref<64xi32, #tpu.memory_space<vmem>>
    %dma_wait3A_139 = arith.constant 0 : i32
    %dma_wait3A_140 = arith.constant 0 : i32
    %dma_wait3A_141 = tpu.memref_slice %arg2[%dma_wait3A_139, %dma_wait3A_140] : memref<1024x768xf32, #tpu.memory_space<hbm>> -> memref<1024x768xf32, #tpu.memory_space<hbm>>
    tpu.wait_indirect_dma semaphore(%arg9 : memref<!tpu.dma_semaphore, #tpu.memory_space<semaphore_mem>>) src(%dma_wait3A_141 : memref<1024x768xf32, #tpu.memory_space<hbm>>) dst(%arg7 : memref<64x768xf32, #tpu.memory_space<vmem>>)
    %add3A_142 = arith.constant 320 : i32
    %add3A_143 = arith.addi %mul3A_2, %add3A_142 : i32
    %dma_start3A_144 = arith.constant 0 : i32
    %dma_start3A_145 = tpu.memref_slice %arg4[%add3A_143, %dma_start3A_144] : memref<16384x768xf32, #tpu.memory_space<hbm>> -> memref<64x768xf32, #tpu.memory_space<hbm>>
    %dma_start3A_146 = arith.constant 0 : i32
    %dma_start3A_147 = tpu.memref_slice %arg4[%add3A_143, %dma_start3A_146] : memref<16384x768xf32, #tpu.memory_space<hbm>> -> memref<64x768xf32, #tpu.memory_space<hbm>>
    tpu.enqueue_dma source(%arg7 : memref<64x768xf32, #tpu.memory_space<vmem>>) target(%dma_start3A_147 : memref<64x768xf32, #tpu.memory_space<hbm>>) target_semaphore(%arg11 : memref<!tpu.dma_semaphore, #tpu.memory_space<semaphore_mem>>)
    %dma_wait3A_148 = arith.constant 0 : i32
    %dma_wait3A_149 = tpu.memref_slice %arg4[%add3A_143, %dma_wait3A_148] : memref<16384x768xf32, #tpu.memory_space<hbm>> -> memref<64x768xf32, #tpu.memory_space<hbm>>
    %dma_wait3A_150 = arith.constant 0 : i32
    %dma_wait3A_151 = tpu.memref_slice %arg4[%add3A_143, %dma_wait3A_150] : memref<16384x768xf32, #tpu.memory_space<hbm>> -> memref<64x768xf32, #tpu.memory_space<hbm>>
    tpu.wait_dma2 semaphore(%arg11 : memref<!tpu.dma_semaphore, #tpu.memory_space<semaphore_mem>>) src(%arg7 : memref<64x768xf32, #tpu.memory_space<vmem>>) dst(%dma_wait3A_151 : memref<64x768xf32, #tpu.memory_space<hbm>>)
    %dma_start3A_152 = arith.constant 7 : i32
    %dma_start3A_153 = arith.constant 0 : i32
    %dma_start3A_154 = tpu.memref_slice %arg5[%dma_start3A_152, %dma_start3A_153] : memref<8x64xi32, #tpu.memory_space<vmem>> -> memref<1x64xi32, #tpu.memory_space<vmem>>
    %dma_start3A_155 = tpu.memref_squeeze %dma_start3A_154 : memref<1x64xi32, #tpu.memory_space<vmem>> -> memref<64xi32, #tpu.memory_space<vmem>>
    %dma_start3A_156 = arith.constant 0 : i32
    %dma_start3A_157 = arith.constant 0 : i32
    %dma_start3A_158 = tpu.memref_slice %arg2[%dma_start3A_156, %dma_start3A_157] : memref<1024x768xf32, #tpu.memory_space<hbm>> -> memref<1024x768xf32, #tpu.memory_space<hbm>>
    tpu.enqueue_indirect_dma source(%dma_start3A_158 : memref<1024x768xf32, #tpu.memory_space<hbm>>) target(%arg7 : memref<64x768xf32, #tpu.memory_space<vmem>>) offsets(%dma_start3A_155 : memref<64xi32, #tpu.memory_space<vmem>>) semaphore(%arg9 : memref<!tpu.dma_semaphore, #tpu.memory_space<semaphore_mem>>)
    %dma_wait3A_159 = arith.constant 6 : i32
    %dma_wait3A_160 = arith.constant 0 : i32
    %dma_wait3A_161 = tpu.memref_slice %arg5[%dma_wait3A_159, %dma_wait3A_160] : memref<8x64xi32, #tpu.memory_space<vmem>> -> memref<1x64xi32, #tpu.memory_space<vmem>>
    %dma_wait3A_162 = tpu.memref_squeeze %dma_wait3A_161 : memref<1x64xi32, #tpu.memory_space<vmem>> -> memref<64xi32, #tpu.memory_space<vmem>>
    %dma_wait3A_163 = arith.constant 0 : i32
    %dma_wait3A_164 = arith.constant 0 : i32
    %dma_wait3A_165 = tpu.memref_slice %arg2[%dma_wait3A_163, %dma_wait3A_164] : memref<1024x768xf32, #tpu.memory_space<hbm>> -> memref<1024x768xf32, #tpu.memory_space<hbm>>
    tpu.wait_indirect_dma semaphore(%arg8 : memref<!tpu.dma_semaphore, #tpu.memory_space<semaphore_mem>>) src(%dma_wait3A_165 : memref<1024x768xf32, #tpu.memory_space<hbm>>) dst(%arg6 : memref<64x768xf32, #tpu.memory_space<vmem>>)
    %add3A_166 = arith.constant 384 : i32
    %add3A_167 = arith.addi %mul3A_2, %add3A_166 : i32
    %dma_start3A_168 = arith.constant 0 : i32
    %dma_start3A_169 = tpu.memref_slice %arg4[%add3A_167, %dma_start3A_168] : memref<16384x768xf32, #tpu.memory_space<hbm>> -> memref<64x768xf32, #tpu.memory_space<hbm>>
    %dma_start3A_170 = arith.constant 0 : i32
    %dma_start3A_171 = tpu.memref_slice %arg4[%add3A_167, %dma_start3A_170] : memref<16384x768xf32, #tpu.memory_space<hbm>> -> memref<64x768xf32, #tpu.memory_space<hbm>>
    tpu.enqueue_dma source(%arg6 : memref<64x768xf32, #tpu.memory_space<vmem>>) target(%dma_start3A_171 : memref<64x768xf32, #tpu.memory_space<hbm>>) target_semaphore(%arg10 : memref<!tpu.dma_semaphore, #tpu.memory_space<semaphore_mem>>)
    %dma_wait3A_172 = arith.constant 7 : i32
    %dma_wait3A_173 = arith.constant 0 : i32
    %dma_wait3A_174 = tpu.memref_slice %arg5[%dma_wait3A_172, %dma_wait3A_173] : memref<8x64xi32, #tpu.memory_space<vmem>> -> memref<1x64xi32, #tpu.memory_space<vmem>>
    %dma_wait3A_175 = tpu.memref_squeeze %dma_wait3A_174 : memref<1x64xi32, #tpu.memory_space<vmem>> -> memref<64xi32, #tpu.memory_space<vmem>>
    %dma_wait3A_176 = arith.constant 0 : i32
    %dma_wait3A_177 = arith.constant 0 : i32
    %dma_wait3A_178 = tpu.memref_slice %arg2[%dma_wait3A_176, %dma_wait3A_177] : memref<1024x768xf32, #tpu.memory_space<hbm>> -> memref<1024x768xf32, #tpu.memory_space<hbm>>
    tpu.wait_indirect_dma semaphore(%arg9 : memref<!tpu.dma_semaphore, #tpu.memory_space<semaphore_mem>>) src(%dma_wait3A_178 : memref<1024x768xf32, #tpu.memory_space<hbm>>) dst(%arg7 : memref<64x768xf32, #tpu.memory_space<vmem>>)
    %add3A_179 = arith.constant 448 : i32
    %add3A_180 = arith.addi %mul3A_2, %add3A_179 : i32
    %dma_start3A_181 = arith.constant 0 : i32
    %dma_start3A_182 = tpu.memref_slice %arg4[%add3A_180, %dma_start3A_181] : memref<16384x768xf32, #tpu.memory_space<hbm>> -> memref<64x768xf32, #tpu.memory_space<hbm>>
    %dma_start3A_183 = arith.constant 0 : i32
    %dma_start3A_184 = tpu.memref_slice %arg4[%add3A_180, %dma_start3A_183] : memref<16384x768xf32, #tpu.memory_space<hbm>> -> memref<64x768xf32, #tpu.memory_space<hbm>>
    tpu.enqueue_dma source(%arg7 : memref<64x768xf32, #tpu.memory_space<vmem>>) target(%dma_start3A_184 : memref<64x768xf32, #tpu.memory_space<hbm>>) target_semaphore(%arg11 : memref<!tpu.dma_semaphore, #tpu.memory_space<semaphore_mem>>)
    %dma_wait3A_185 = arith.constant 0 : i32
    %dma_wait3A_186 = tpu.memref_slice %arg4[%add3A_167, %dma_wait3A_185] : memref<16384x768xf32, #tpu.memory_space<hbm>> -> memref<64x768xf32, #tpu.memory_space<hbm>>
    %dma_wait3A_187 = arith.constant 0 : i32
    %dma_wait3A_188 = tpu.memref_slice %arg4[%add3A_167, %dma_wait3A_187] : memref<16384x768xf32, #tpu.memory_space<hbm>> -> memref<64x768xf32, #tpu.memory_space<hbm>>
    tpu.wait_dma2 semaphore(%arg10 : memref<!tpu.dma_semaphore, #tpu.memory_space<semaphore_mem>>) src(%arg6 : memref<64x768xf32, #tpu.memory_space<vmem>>) dst(%dma_wait3A_188 : memref<64x768xf32, #tpu.memory_space<hbm>>)
    %dma_wait3A_189 = arith.constant 0 : i32
    %dma_wait3A_190 = tpu.memref_slice %arg4[%add3A_180, %dma_wait3A_189] : memref<16384x768xf32, #tpu.memory_space<hbm>> -> memref<64x768xf32, #tpu.memory_space<hbm>>
    %dma_wait3A_191 = arith.constant 0 : i32
    %dma_wait3A_192 = tpu.memref_slice %arg4[%add3A_180, %dma_wait3A_191] : memref<16384x768xf32, #tpu.memory_space<hbm>> -> memref<64x768xf32, #tpu.memory_space<hbm>>
    tpu.wait_dma2 semaphore(%arg11 : memref<!tpu.dma_semaphore, #tpu.memory_space<semaphore_mem>>) src(%arg7 : memref<64x768xf32, #tpu.memory_space<vmem>>) dst(%dma_wait3A_192 : memref<64x768xf32, #tpu.memory_space<hbm>>)
    return
  }
}

module attributes {stable_mosaic.version = 14 : i64} {
  func.func @_corr_kernel(%arg0: i32, %arg1: memref<16x1024xf32, #tpu.memory_space<vmem>>, %arg2: memref<2048x8xf32, #tpu.memory_space<vmem>>, %arg3: memref<1024x8xf32, #tpu.memory_space<vmem>>, %arg4: memref<1024x1024xf32, #tpu.memory_space<vmem>>, %arg5: memref<2048xi32, #tpu.memory_space<vmem>>, %arg6: memref<2048xf32, #tpu.memory_space<vmem>>, %arg7: memref<16x1024xf32, #tpu.memory_space<vmem>>) attributes {dimension_semantics = [#tpu.dimension_semantics<arbitrary>], iteration_bounds = array<i64: 8>, scalar_prefetch = 0 : i64, scratch_operands = 0 : i64, tpu.core_type = #tpu.core_type<tc>, window_params = [{transform_indices = @transform_0, window_bounds = array<i64: 16, 1024>}, {transform_indices = @transform_1, window_bounds = array<i64: 2048, 8>}, {pipeline_mode = #tpu.pipeline_mode<synchronous>, transform_indices = @transform_2, window_bounds = array<i64: 1024, 8>}, {pipeline_mode = #tpu.pipeline_mode<synchronous>, transform_indices = @transform_3, window_bounds = array<i64: 1024, 1024>}, {transform_indices = @transform_4, window_bounds = array<i64: 2048>}, {transform_indices = @transform_5, window_bounds = array<i64: 2048>}, {transform_indices = @transform_6, window_bounds = array<i64: 16, 1024>}]} {
    %get3A = arith.constant 0 : index
    %get3A_0 = arith.constant 0 : index
    %get3A_1 = vector.load %arg3[%get3A, %get3A_0] : memref<1024x8xf32, #tpu.memory_space<vmem>>, vector<1024x8xf32>
    %reduce_sum3A = arith.constant dense<0.000000e+00> : vector<1024xf32>
    %reduce_sum3A_2 = vector.multi_reduction <add>, %get3A_1, %reduce_sum3A [1] : vector<1024x8xf32> to vector<1024xf32>
    %broadcast_in_dim3A = vector.shape_cast %reduce_sum3A_2 : vector<1024xf32> to vector<1024x1xf32>
    %div3A = arith.constant 8.000000e+00 : f32
    %div3A_3 = vector.broadcast %div3A : f32 to vector<1024x1xf32>
    %div3A_4 = arith.divf %broadcast_in_dim3A, %div3A_3 : vector<1024x1xf32>
    %sub3A = vector.broadcast %div3A_4 : vector<1024x1xf32> to vector<1024x8xf32>
    %sub3A_5 = arith.subf %get3A_1, %sub3A : vector<1024x8xf32>
    %mul3A = arith.mulf %sub3A_5, %sub3A_5 : vector<1024x8xf32>
    %reduce_sum3A_6 = arith.constant dense<0.000000e+00> : vector<1024xf32>
    %reduce_sum3A_7 = vector.multi_reduction <add>, %mul3A, %reduce_sum3A_6 [1] : vector<1024x8xf32> to vector<1024xf32>
    %broadcast_in_dim3A_8 = vector.shape_cast %reduce_sum3A_7 : vector<1024xf32> to vector<1024x1xf32>
    %div3A_9 = arith.constant 8.000000e+00 : f32
    %div3A_10 = vector.broadcast %div3A_9 : f32 to vector<1024x1xf32>
    %div3A_11 = arith.divf %broadcast_in_dim3A_8, %div3A_10 : vector<1024x1xf32>
    %sqrt3A = math.sqrt %div3A_11 : vector<1024x1xf32>
    %get3A_12 = arith.constant 0 : index
    %get3A_13 = arith.constant 0 : index
    %get3A_14 = vector.load %arg2[%get3A_12, %get3A_13] : memref<2048x8xf32, #tpu.memory_space<vmem>>, vector<2048x8xf32>
    %reduce_sum3A_15 = arith.constant dense<0.000000e+00> : vector<2048xf32>
    %reduce_sum3A_16 = vector.multi_reduction <add>, %get3A_14, %reduce_sum3A_15 [1] : vector<2048x8xf32> to vector<2048xf32>
    %broadcast_in_dim3A_17 = vector.shape_cast %reduce_sum3A_16 : vector<2048xf32> to vector<2048x1xf32>
    %div3A_18 = arith.constant 8.000000e+00 : f32
    %div3A_19 = vector.broadcast %div3A_18 : f32 to vector<2048x1xf32>
    %div3A_20 = arith.divf %broadcast_in_dim3A_17, %div3A_19 : vector<2048x1xf32>
    %sub3A_21 = vector.broadcast %div3A_20 : vector<2048x1xf32> to vector<2048x8xf32>
    %sub3A_22 = arith.subf %get3A_14, %sub3A_21 : vector<2048x8xf32>
    %broadcast_in_dim3A_23 = arith.constant 1.000000e+00 : f32
    %broadcast_in_dim3A_24 = vector.broadcast %broadcast_in_dim3A_23 : f32 to vector<1x8xf32>
    %mul3A_25 = arith.mulf %sub3A_22, %sub3A_22 : vector<2048x8xf32>
    %dot_general3A = arith.constant dense<0.000000e+00> : vector<1x2048xf32>
    %dot_general3A_26 = tpu.matmul %broadcast_in_dim3A_24, %mul3A_25, %dot_general3A {dimension_numbers = #tpu.dot_dimension_numbers<[1], [1], [0], [0], [0, 0, 1, 0], [], []>, precision = #tpu.contract_precision<fp32>, transpose_lhs_hint = false} : vector<1x8xf32>, vector<2048x8xf32>, vector<1x2048xf32> -> vector<1x2048xf32>
    %div3A_27 = arith.constant 8.000000e+00 : f32
    %div3A_28 = vector.broadcast %div3A_27 : f32 to vector<1x2048xf32>
    %div3A_29 = arith.divf %dot_general3A_26, %div3A_28 : vector<1x2048xf32>
    %sqrt3A_30 = math.sqrt %div3A_29 : vector<1x2048xf32>
    %dot_general3A_31 = arith.constant dense<0.000000e+00> : vector<1024x2048xf32>
    %dot_general3A_32 = tpu.matmul %sub3A_5, %sub3A_22, %dot_general3A_31 {dimension_numbers = #tpu.dot_dimension_numbers<[1], [1], [0], [0], [0, 0, 1, 0], [], []>, transpose_lhs_hint = false} : vector<1024x8xf32>, vector<2048x8xf32>, vector<1024x2048xf32> -> vector<1024x2048xf32>
    %div3A_33 = arith.constant 8.000000e+00 : f32
    %div3A_34 = vector.broadcast %div3A_33 : f32 to vector<1024x2048xf32>
    %div3A_35 = arith.divf %dot_general3A_32, %div3A_34 : vector<1024x2048xf32>
    %mul3A_36 = vector.broadcast %sqrt3A : vector<1024x1xf32> to vector<1024x2048xf32>
    %mul3A_37 = vector.broadcast %sqrt3A_30 : vector<1x2048xf32> to vector<1024x2048xf32>
    %mul3A_38 = arith.mulf %mul3A_36, %mul3A_37 : vector<1024x2048xf32>
    %ne3A = arith.constant 0.000000e+00 : f32
    %ne3A_39 = vector.broadcast %ne3A : f32 to vector<1024x2048xf32>
    %ne3A_40 = arith.cmpf one, %mul3A_38, %ne3A_39 : vector<1024x2048xf32>
    %jit3A = arith.constant 1.000000e+00 : f32
    %broadcast_in_dim3A_41 = vector.broadcast %jit3A : f32 to vector<1024x2048xf32>
    %select_n3A = arith.select %ne3A_40, %mul3A_38, %broadcast_in_dim3A_41 : vector<1024x2048xi1>, vector<1024x2048xf32>
    %div3A_42 = arith.divf %div3A_35, %select_n3A : vector<1024x2048xf32>
    %jit3A_43 = arith.constant 0.000000e+00 : f32
    %broadcast_in_dim3A_44 = vector.broadcast %jit3A_43 : f32 to vector<1024x2048xf32>
    %select_n3A_45 = arith.select %ne3A_40, %div3A_42, %broadcast_in_dim3A_44 : vector<1024x2048xi1>, vector<1024x2048xf32>
    %abs3A = math.absf %select_n3A_45 : vector<1024x2048xf32>
    %gt3A = arith.constant 0.949999988 : f32
    %gt3A_46 = vector.broadcast %gt3A : f32 to vector<1024x2048xf32>
    %gt3A_47 = arith.cmpf ogt, %abs3A, %gt3A_46 : vector<1024x2048xf32>
    %jit3A_48 = arith.constant -1.000000e+00 : f32
    %broadcast_in_dim3A_49 = vector.broadcast %jit3A_48 : f32 to vector<1024x2048xf32>
    %select_n3A_50 = arith.select %gt3A_47, %abs3A, %broadcast_in_dim3A_49 : vector<1024x2048xi1>, vector<1024x2048xf32>
    %broadcast_in_dim3A_51 = arith.constant -1.000000e+00 : f32
    %broadcast_in_dim3A_52 = vector.broadcast %broadcast_in_dim3A_51 : f32 to vector<1x2048xf32>
    %slice3A = vector.extract_strided_slice %select_n3A_50 {offsets = [1, 0], sizes = [1023, 2048], strides = [1, 1]} : vector<1024x2048xf32> to vector<1023x2048xf32>
    %concatenate3A = tpu.concatenate %slice3A, %broadcast_in_dim3A_52 in 0 : vector<1023x2048xf32>, vector<1x2048xf32> -> vector<1024x2048xf32>
    %broadcast_in_dim3A_53 = arith.constant -1.000000e+00 : f32
    %broadcast_in_dim3A_54 = vector.broadcast %broadcast_in_dim3A_53 : f32 to vector<1x2048xf32>
    %slice3A_55 = vector.extract_strided_slice %concatenate3A {offsets = [1, 0], sizes = [1023, 2048], strides = [1, 1]} : vector<1024x2048xf32> to vector<1023x2048xf32>
    %concatenate3A_56 = tpu.concatenate %slice3A_55, %broadcast_in_dim3A_54 in 0 : vector<1023x2048xf32>, vector<1x2048xf32> -> vector<1024x2048xf32>
    %max3A = arith.maximumf %concatenate3A, %concatenate3A_56 : vector<1024x2048xf32>
    %broadcast_in_dim3A_57 = arith.constant -1.000000e+00 : f32
    %broadcast_in_dim3A_58 = vector.broadcast %broadcast_in_dim3A_57 : f32 to vector<2x2048xf32>
    %slice3A_59 = vector.extract_strided_slice %max3A {offsets = [2, 0], sizes = [1022, 2048], strides = [1, 1]} : vector<1024x2048xf32> to vector<1022x2048xf32>
    %concatenate3A_60 = tpu.concatenate %slice3A_59, %broadcast_in_dim3A_58 in 0 : vector<1022x2048xf32>, vector<2x2048xf32> -> vector<1024x2048xf32>
    %max3A_61 = arith.maximumf %max3A, %concatenate3A_60 : vector<1024x2048xf32>
    %broadcast_in_dim3A_62 = arith.constant -1.000000e+00 : f32
    %broadcast_in_dim3A_63 = vector.broadcast %broadcast_in_dim3A_62 : f32 to vector<4x2048xf32>
    %slice3A_64 = vector.extract_strided_slice %max3A_61 {offsets = [4, 0], sizes = [1020, 2048], strides = [1, 1]} : vector<1024x2048xf32> to vector<1020x2048xf32>
    %concatenate3A_65 = tpu.concatenate %slice3A_64, %broadcast_in_dim3A_63 in 0 : vector<1020x2048xf32>, vector<4x2048xf32> -> vector<1024x2048xf32>
    %max3A_66 = arith.maximumf %max3A_61, %concatenate3A_65 : vector<1024x2048xf32>
    %broadcast_in_dim3A_67 = arith.constant -1.000000e+00 : f32
    %broadcast_in_dim3A_68 = vector.broadcast %broadcast_in_dim3A_67 : f32 to vector<8x2048xf32>
    %slice3A_69 = vector.extract_strided_slice %max3A_66 {offsets = [8, 0], sizes = [1016, 2048], strides = [1, 1]} : vector<1024x2048xf32> to vector<1016x2048xf32>
    %concatenate3A_70 = tpu.concatenate %slice3A_69, %broadcast_in_dim3A_68 in 0 : vector<1016x2048xf32>, vector<8x2048xf32> -> vector<1024x2048xf32>
    %max3A_71 = arith.maximumf %max3A_66, %concatenate3A_70 : vector<1024x2048xf32>
    %broadcast_in_dim3A_72 = arith.constant -1.000000e+00 : f32
    %broadcast_in_dim3A_73 = vector.broadcast %broadcast_in_dim3A_72 : f32 to vector<16x2048xf32>
    %slice3A_74 = vector.extract_strided_slice %max3A_71 {offsets = [16, 0], sizes = [1008, 2048], strides = [1, 1]} : vector<1024x2048xf32> to vector<1008x2048xf32>
    %concatenate3A_75 = tpu.concatenate %slice3A_74, %broadcast_in_dim3A_73 in 0 : vector<1008x2048xf32>, vector<16x2048xf32> -> vector<1024x2048xf32>
    %max3A_76 = arith.maximumf %max3A_71, %concatenate3A_75 : vector<1024x2048xf32>
    %broadcast_in_dim3A_77 = arith.constant -1.000000e+00 : f32
    %broadcast_in_dim3A_78 = vector.broadcast %broadcast_in_dim3A_77 : f32 to vector<32x2048xf32>
    %slice3A_79 = vector.extract_strided_slice %max3A_76 {offsets = [32, 0], sizes = [992, 2048], strides = [1, 1]} : vector<1024x2048xf32> to vector<992x2048xf32>
    %concatenate3A_80 = tpu.concatenate %slice3A_79, %broadcast_in_dim3A_78 in 0 : vector<992x2048xf32>, vector<32x2048xf32> -> vector<1024x2048xf32>
    %max3A_81 = arith.maximumf %max3A_76, %concatenate3A_80 : vector<1024x2048xf32>
    %broadcast_in_dim3A_82 = arith.constant -1.000000e+00 : f32
    %broadcast_in_dim3A_83 = vector.broadcast %broadcast_in_dim3A_82 : f32 to vector<64x2048xf32>
    %slice3A_84 = vector.extract_strided_slice %max3A_81 {offsets = [64, 0], sizes = [960, 2048], strides = [1, 1]} : vector<1024x2048xf32> to vector<960x2048xf32>
    %concatenate3A_85 = tpu.concatenate %slice3A_84, %broadcast_in_dim3A_83 in 0 : vector<960x2048xf32>, vector<64x2048xf32> -> vector<1024x2048xf32>
    %max3A_86 = arith.maximumf %max3A_81, %concatenate3A_85 : vector<1024x2048xf32>
    %broadcast_in_dim3A_87 = arith.constant -1.000000e+00 : f32
    %broadcast_in_dim3A_88 = vector.broadcast %broadcast_in_dim3A_87 : f32 to vector<128x2048xf32>
    %slice3A_89 = vector.extract_strided_slice %max3A_86 {offsets = [128, 0], sizes = [896, 2048], strides = [1, 1]} : vector<1024x2048xf32> to vector<896x2048xf32>
    %concatenate3A_90 = tpu.concatenate %slice3A_89, %broadcast_in_dim3A_88 in 0 : vector<896x2048xf32>, vector<128x2048xf32> -> vector<1024x2048xf32>
    %max3A_91 = arith.maximumf %max3A_86, %concatenate3A_90 : vector<1024x2048xf32>
    %broadcast_in_dim3A_92 = arith.constant -1.000000e+00 : f32
    %broadcast_in_dim3A_93 = vector.broadcast %broadcast_in_dim3A_92 : f32 to vector<256x2048xf32>
    %slice3A_94 = vector.extract_strided_slice %max3A_91 {offsets = [256, 0], sizes = [768, 2048], strides = [1, 1]} : vector<1024x2048xf32> to vector<768x2048xf32>
    %concatenate3A_95 = tpu.concatenate %slice3A_94, %broadcast_in_dim3A_93 in 0 : vector<768x2048xf32>, vector<256x2048xf32> -> vector<1024x2048xf32>
    %max3A_96 = arith.maximumf %max3A_91, %concatenate3A_95 : vector<1024x2048xf32>
    %broadcast_in_dim3A_97 = arith.constant -1.000000e+00 : f32
    %broadcast_in_dim3A_98 = vector.broadcast %broadcast_in_dim3A_97 : f32 to vector<512x2048xf32>
    %slice3A_99 = vector.extract_strided_slice %max3A_96 {offsets = [512, 0], sizes = [512, 2048], strides = [1, 1]} : vector<1024x2048xf32> to vector<512x2048xf32>
    %concatenate3A_100 = tpu.concatenate %slice3A_99, %broadcast_in_dim3A_98 in 0 : vector<512x2048xf32>, vector<512x2048xf32> -> vector<1024x2048xf32>
    %max3A_101 = arith.maximumf %max3A_96, %concatenate3A_100 : vector<1024x2048xf32>
    %gt3A_102 = arith.constant 0.000000e+00 : f32
    %gt3A_103 = vector.broadcast %gt3A_102 : f32 to vector<1024x2048xf32>
    %gt3A_104 = arith.cmpf ogt, %select_n3A_50, %gt3A_103 : vector<1024x2048xf32>
    %gt3A_105 = arith.constant 0.000000e+00 : f32
    %gt3A_106 = vector.broadcast %gt3A_105 : f32 to vector<1024x2048xf32>
    %gt3A_107 = arith.cmpf ogt, %select_n3A_45, %gt3A_106 : vector<1024x2048xf32>
    %ge3A = arith.cmpf oge, %select_n3A_50, %max3A_101 : vector<1024x2048xf32>
    %and3A = arith.andi %gt3A_107, %ge3A : vector<1024x2048xi1>
    %not3A = arith.constant dense<true> : vector<1024x2048xi1>
    %not3A_108 = arith.xori %gt3A_107, %not3A : vector<1024x2048xi1>
    %le3A = arith.constant 0.949999988 : f32
    %le3A_109 = vector.broadcast %le3A : f32 to vector<1024x2048xf32>
    %le3A_110 = arith.cmpf ole, %max3A_101, %le3A_109 : vector<1024x2048xf32>
    %and3A_111 = arith.andi %not3A_108, %le3A_110 : vector<1024x2048xi1>
    %or3A = arith.ori %and3A, %and3A_111 : vector<1024x2048xi1>
    %and3A_112 = arith.andi %gt3A_104, %or3A : vector<1024x2048xi1>
    %iota3A = tpu.iota {dimensions = array<i32: 0>} : vector<1024x2048xi32>
    %jit3A_113 = arith.constant 2047 : i32
    %broadcast_in_dim3A_114 = vector.broadcast %jit3A_113 : i32 to vector<1024x2048xi32>
    %select_n3A_115 = arith.select %and3A_112, %iota3A, %broadcast_in_dim3A_114 : vector<1024x2048xi1>, vector<1024x2048xi32>
    %reduce_min3A = arith.constant dense<2147483647> : vector<2048xi32>
    %reduce_min3A_116 = vector.multi_reduction <minsi>, %select_n3A_115, %reduce_min3A [0] : vector<1024x2048xi32> to vector<2048xi32>
    %lt3A = arith.constant 1024 : i32
    %lt3A_117 = vector.broadcast %lt3A : i32 to vector<2048xi32>
    %lt3A_118 = arith.cmpi slt, %reduce_min3A_116, %lt3A_117 : vector<2048xi32>
    %iota3A_119 = tpu.iota {dimensions = array<i32: 1>} : vector<1x2048xi32>
    %iota3A_120 = vector.shape_cast %iota3A_119 : vector<1x2048xi32> to vector<2048xi32>
    %select_n3A_121 = arith.select %lt3A_118, %reduce_min3A_116, %iota3A_120 : vector<2048xi1>, vector<2048xi32>
    %swap3A = arith.constant 0 : index
    %swap3A_122 = vector.load %arg5[%swap3A] : memref<2048xi32, #tpu.memory_space<vmem>>, vector<2048xi32>
    tpu.vector_store %arg5[%swap3A], %select_n3A_121 {strides = array<i32>} : memref<2048xi32, #tpu.memory_space<vmem>>, vector<2048xi32>,
    %jit3A_123 = arith.constant 1.000000e+00 : f32
    %jit3A_124 = arith.constant 0.000000e+00 : f32
    %broadcast_in_dim3A_125 = vector.broadcast %jit3A_123 : f32 to vector<2048xf32>
    %broadcast_in_dim3A_126 = vector.broadcast %jit3A_124 : f32 to vector<2048xf32>
    %select_n3A_127 = arith.select %lt3A_118, %broadcast_in_dim3A_125, %broadcast_in_dim3A_126 : vector<2048xi1>, vector<2048xf32>
    %swap3A_128 = arith.constant 0 : index
    %swap3A_129 = vector.load %arg6[%swap3A_128] : memref<2048xf32, #tpu.memory_space<vmem>>, vector<2048xf32>
    tpu.vector_store %arg6[%swap3A_128], %select_n3A_127 {strides = array<i32>} : memref<2048xf32, #tpu.memory_space<vmem>>, vector<2048xf32>,
    %get3A_130 = arith.constant 0 : index
    %get3A_131 = arith.constant 0 : index
    %get3A_132 = vector.load %arg1[%get3A_130, %get3A_131] : memref<16x1024xf32, #tpu.memory_space<vmem>>, vector<16x1024xf32>
    %get3A_133 = arith.constant 0 : index
    %get3A_134 = arith.constant 0 : index
    %get3A_135 = vector.load %arg4[%get3A_133, %get3A_134] : memref<1024x1024xf32, #tpu.memory_space<vmem>>, vector<1024x1024xf32>
    %dot_general3A_136 = arith.constant dense<0.000000e+00> : vector<16x1024xf32>
    %dot_general3A_137 = tpu.matmul %get3A_132, %get3A_135, %dot_general3A_136 {dimension_numbers = #tpu.dot_dimension_numbers<[1], [0], [0], [1], [0, 0, 1, 1], [], []>, precision = #tpu.contract_precision<fp32>, transpose_lhs_hint = false} : vector<16x1024xf32>, vector<1024x1024xf32>, vector<16x1024xf32> -> vector<16x1024xf32>
    %swap3A_138 = arith.constant 0 : index
    %swap3A_139 = arith.constant 0 : index
    %swap3A_140 = vector.load %arg7[%swap3A_138, %swap3A_139] : memref<16x1024xf32, #tpu.memory_space<vmem>>, vector<16x1024xf32>
    tpu.vector_store %arg7[%swap3A_138, %swap3A_139], %dot_general3A_137 {strides = array<i32>} : memref<16x1024xf32, #tpu.memory_space<vmem>>, vector<16x1024xf32>,
    return
  }
  func.func @transform_0(%arg0: i32) -> (i32, i32) {
    %c0_i32 = arith.constant 0 : i32
    %c0_i32_0 = arith.constant 0 : i32
    return %arg0, %c0_i32 : i32, i32
  }
  func.func @transform_1(%arg0: i32) -> (i32, i32) {
    %c0_i32 = arith.constant 0 : i32
    %c0_i32_0 = arith.constant 0 : i32
    return %arg0, %c0_i32 : i32, i32
  }
  func.func @transform_2(%arg0: i32) -> (i32, i32) {
    %c0_i32 = arith.constant 0 : i32
    %c0_i32_0 = arith.constant 0 : i32
    %c0_i32_1 = arith.constant 0 : i32
    return %c0_i32, %c0_i32_0 : i32, i32
  }
  func.func @transform_3(%arg0: i32) -> (i32, i32) {
    %c0_i32 = arith.constant 0 : i32
    %c0_i32_0 = arith.constant 0 : i32
    %c0_i32_1 = arith.constant 0 : i32
    return %c0_i32, %c0_i32_0 : i32, i32
  }
  func.func @transform_4(%arg0: i32) -> i32 {
    %c0_i32 = arith.constant 0 : i32
    return %arg0 : i32
  }
  func.func @transform_5(%arg0: i32) -> i32 {
    %c0_i32 = arith.constant 0 : i32
    return %arg0 : i32
  }
  func.func @transform_6(%arg0: i32) -> (i32, i32) {
    %c0_i32 = arith.constant 0 : i32
    %c0_i32_0 = arith.constant 0 : i32
    return %arg0, %c0_i32 : i32, i32
  }
}

module attributes {stable_mosaic.version = 14 : i64} {
  func.func @_combine_kernel(%arg0: i32, %arg1: memref<16x128x768xf32, #tpu.memory_space<vmem>>, %arg2: memref<16x1024xf32, #tpu.memory_space<vmem>>, %arg3: memref<16x128xf32, #tpu.memory_space<vmem>>, %arg4: memref<8x768xf32, #tpu.memory_space<vmem>>, %arg5: memref<128x768xf32, #tpu.memory_space<vmem>>, %arg6: memref<16x128x768xf32, #tpu.memory_space<vmem>>) attributes {dimension_semantics = [#tpu.dimension_semantics<arbitrary>], iteration_bounds = array<i64: 8>, scalar_prefetch = 0 : i64, scratch_operands = 0 : i64, tpu.core_type = #tpu.core_type<tc>, window_params = [{transform_indices = @transform_0, window_bounds = array<i64: 16, 128, 768>}, {transform_indices = @transform_1, window_bounds = array<i64: 16, 1024>}, {transform_indices = @transform_2, window_bounds = array<i64: 16, 128>}, {pipeline_mode = #tpu.pipeline_mode<synchronous>, transform_indices = @transform_3, window_bounds = array<i64: 8, 768>}, {pipeline_mode = #tpu.pipeline_mode<synchronous>, transform_indices = @transform_4, window_bounds = array<i64: 128, 768>}, {transform_indices = @transform_5, window_bounds = array<i64: 16, 128, 768>}]} {
    %iota3A = tpu.iota {dimensions = array<i32: 0>} : vector<2048x128xi32>
    %jit3A = arith.constant 128 : i32
    %eq3A = arith.constant 0 : i32
    %eq3A_0 = arith.cmpi eq, %jit3A, %eq3A : i32
    %jit3A_1 = arith.constant 1 : i32
    %select_n3A = arith.select %eq3A_0, %jit3A_1, %jit3A : i32
    %rem3A = vector.broadcast %select_n3A : i32 to vector<2048x128xi32>
    %rem3A_2 = arith.remsi %iota3A, %rem3A : vector<2048x128xi32>
    %ne3A = arith.constant 0 : i32
    %ne3A_3 = vector.broadcast %ne3A : i32 to vector<2048x128xi32>
    %ne3A_4 = arith.cmpi ne, %rem3A_2, %ne3A_3 : vector<2048x128xi32>
    %lt3A = arith.constant 0 : i32
    %lt3A_5 = vector.broadcast %lt3A : i32 to vector<2048x128xi32>
    %lt3A_6 = arith.cmpi slt, %rem3A_2, %lt3A_5 : vector<2048x128xi32>
    %lt3A_7 = arith.constant 0 : i32
    %lt3A_8 = arith.cmpi slt, %select_n3A, %lt3A_7 : i32
    %ne3A_9 = vector.broadcast %lt3A_8 : i1 to vector<2048x128xi1>
    %ne3A_10 = vector.broadcast %ne3A_9 : vector<2048x128xi1> to vector<2048x128xi1>
    %ne3A_11 = arith.xori %lt3A_6, %ne3A_10 : vector<2048x128xi1>
    %and3A = arith.andi %ne3A_11, %ne3A_4 : vector<2048x128xi1>
    %add3A = vector.broadcast %select_n3A : i32 to vector<2048x128xi32>
    %add3A_12 = arith.addi %rem3A_2, %add3A : vector<2048x128xi32>
    %select_n3A_13 = arith.select %and3A, %add3A_12, %rem3A_2 : vector<2048x128xi1>, vector<2048x128xi32>
    %iota3A_14 = tpu.iota {dimensions = array<i32: 1>} : vector<2048x128xi32>
    %eq3A_15 = arith.cmpi eq, %select_n3A_13, %iota3A_14 : vector<2048x128xi32>
    %get3A = arith.constant 0 : index
    %get3A_16 = arith.constant 0 : index
    %get3A_17 = vector.load %arg2[%get3A, %get3A_16] : memref<16x1024xf32, #tpu.memory_space<vmem>>, vector<16x1024xf32>
    %slice3A = vector.extract_strided_slice %get3A_17 {offsets = [0, 0], sizes = [16, 128], strides = [1, 1]} : vector<16x1024xf32> to vector<16x128xf32>
    %broadcast_in_dim3A = vector.shape_cast %slice3A : vector<16x128xf32> to vector<16x1x128xf32>
    %broadcast_in_dim3A_18 = vector.shape_cast %broadcast_in_dim3A : vector<16x1x128xf32> to vector<16x1x128xf32>
    %broadcast_in_dim3A_19 = vector.broadcast %broadcast_in_dim3A_18 : vector<16x1x128xf32> to vector<16x128x128xf32>
    %reshape3A = vector.shape_cast %broadcast_in_dim3A_19 : vector<16x128x128xf32> to vector<2048x128xf32>
    %jit3A_20 = arith.constant 0.000000e+00 : f32
    %broadcast_in_dim3A_21 = vector.broadcast %jit3A_20 : f32 to vector<2048x128xf32>
    %select_n3A_22 = arith.select %eq3A_15, %reshape3A, %broadcast_in_dim3A_21 : vector<2048x128xi1>, vector<2048x128xf32>
    %reduce_sum3A = arith.constant dense<0.000000e+00> : vector<2048xf32>
    %reduce_sum3A_23 = vector.multi_reduction <add>, %select_n3A_22, %reduce_sum3A [1] : vector<2048x128xf32> to vector<2048xf32>
    %broadcast_in_dim3A_24 = vector.shape_cast %reduce_sum3A_23 : vector<2048xf32> to vector<2048x1xf32>
    %slice3A_25 = vector.extract_strided_slice %get3A_17 {offsets = [0, 128], sizes = [16, 128], strides = [1, 1]} : vector<16x1024xf32> to vector<16x128xf32>
    %broadcast_in_dim3A_26 = vector.shape_cast %slice3A_25 : vector<16x128xf32> to vector<16x1x128xf32>
    %broadcast_in_dim3A_27 = vector.shape_cast %broadcast_in_dim3A_26 : vector<16x1x128xf32> to vector<16x1x128xf32>
    %broadcast_in_dim3A_28 = vector.broadcast %broadcast_in_dim3A_27 : vector<16x1x128xf32> to vector<16x128x128xf32>
    %reshape3A_29 = vector.shape_cast %broadcast_in_dim3A_28 : vector<16x128x128xf32> to vector<2048x128xf32>
    %jit3A_30 = arith.constant 0.000000e+00 : f32
    %broadcast_in_dim3A_31 = vector.broadcast %jit3A_30 : f32 to vector<2048x128xf32>
    %select_n3A_32 = arith.select %eq3A_15, %reshape3A_29, %broadcast_in_dim3A_31 : vector<2048x128xi1>, vector<2048x128xf32>
    %reduce_sum3A_33 = arith.constant dense<0.000000e+00> : vector<2048xf32>
    %reduce_sum3A_34 = vector.multi_reduction <add>, %select_n3A_32, %reduce_sum3A_33 [1] : vector<2048x128xf32> to vector<2048xf32>
    %broadcast_in_dim3A_35 = vector.shape_cast %reduce_sum3A_34 : vector<2048xf32> to vector<2048x1xf32>
    %slice3A_36 = vector.extract_strided_slice %get3A_17 {offsets = [0, 256], sizes = [16, 128], strides = [1, 1]} : vector<16x1024xf32> to vector<16x128xf32>
    %broadcast_in_dim3A_37 = vector.shape_cast %slice3A_36 : vector<16x128xf32> to vector<16x1x128xf32>
    %broadcast_in_dim3A_38 = vector.shape_cast %broadcast_in_dim3A_37 : vector<16x1x128xf32> to vector<16x1x128xf32>
    %broadcast_in_dim3A_39 = vector.broadcast %broadcast_in_dim3A_38 : vector<16x1x128xf32> to vector<16x128x128xf32>
    %reshape3A_40 = vector.shape_cast %broadcast_in_dim3A_39 : vector<16x128x128xf32> to vector<2048x128xf32>
    %jit3A_41 = arith.constant 0.000000e+00 : f32
    %broadcast_in_dim3A_42 = vector.broadcast %jit3A_41 : f32 to vector<2048x128xf32>
    %select_n3A_43 = arith.select %eq3A_15, %reshape3A_40, %broadcast_in_dim3A_42 : vector<2048x128xi1>, vector<2048x128xf32>
    %reduce_sum3A_44 = arith.constant dense<0.000000e+00> : vector<2048xf32>
    %reduce_sum3A_45 = vector.multi_reduction <add>, %select_n3A_43, %reduce_sum3A_44 [1] : vector<2048x128xf32> to vector<2048xf32>
    %broadcast_in_dim3A_46 = vector.shape_cast %reduce_sum3A_45 : vector<2048xf32> to vector<2048x1xf32>
    %slice3A_47 = vector.extract_strided_slice %get3A_17 {offsets = [0, 384], sizes = [16, 128], strides = [1, 1]} : vector<16x1024xf32> to vector<16x128xf32>
    %broadcast_in_dim3A_48 = vector.shape_cast %slice3A_47 : vector<16x128xf32> to vector<16x1x128xf32>
    %broadcast_in_dim3A_49 = vector.shape_cast %broadcast_in_dim3A_48 : vector<16x1x128xf32> to vector<16x1x128xf32>
    %broadcast_in_dim3A_50 = vector.broadcast %broadcast_in_dim3A_49 : vector<16x1x128xf32> to vector<16x128x128xf32>
    %reshape3A_51 = vector.shape_cast %broadcast_in_dim3A_50 : vector<16x128x128xf32> to vector<2048x128xf32>
    %jit3A_52 = arith.constant 0.000000e+00 : f32
    %broadcast_in_dim3A_53 = vector.broadcast %jit3A_52 : f32 to vector<2048x128xf32>
    %select_n3A_54 = arith.select %eq3A_15, %reshape3A_51, %broadcast_in_dim3A_53 : vector<2048x128xi1>, vector<2048x128xf32>
    %reduce_sum3A_55 = arith.constant dense<0.000000e+00> : vector<2048xf32>
    %reduce_sum3A_56 = vector.multi_reduction <add>, %select_n3A_54, %reduce_sum3A_55 [1] : vector<2048x128xf32> to vector<2048xf32>
    %broadcast_in_dim3A_57 = vector.shape_cast %reduce_sum3A_56 : vector<2048xf32> to vector<2048x1xf32>
    %slice3A_58 = vector.extract_strided_slice %get3A_17 {offsets = [0, 512], sizes = [16, 128], strides = [1, 1]} : vector<16x1024xf32> to vector<16x128xf32>
    %broadcast_in_dim3A_59 = vector.shape_cast %slice3A_58 : vector<16x128xf32> to vector<16x1x128xf32>
    %broadcast_in_dim3A_60 = vector.shape_cast %broadcast_in_dim3A_59 : vector<16x1x128xf32> to vector<16x1x128xf32>
    %broadcast_in_dim3A_61 = vector.broadcast %broadcast_in_dim3A_60 : vector<16x1x128xf32> to vector<16x128x128xf32>
    %reshape3A_62 = vector.shape_cast %broadcast_in_dim3A_61 : vector<16x128x128xf32> to vector<2048x128xf32>
    %jit3A_63 = arith.constant 0.000000e+00 : f32
    %broadcast_in_dim3A_64 = vector.broadcast %jit3A_63 : f32 to vector<2048x128xf32>
    %select_n3A_65 = arith.select %eq3A_15, %reshape3A_62, %broadcast_in_dim3A_64 : vector<2048x128xi1>, vector<2048x128xf32>
    %reduce_sum3A_66 = arith.constant dense<0.000000e+00> : vector<2048xf32>
    %reduce_sum3A_67 = vector.multi_reduction <add>, %select_n3A_65, %reduce_sum3A_66 [1] : vector<2048x128xf32> to vector<2048xf32>
    %broadcast_in_dim3A_68 = vector.shape_cast %reduce_sum3A_67 : vector<2048xf32> to vector<2048x1xf32>
    %slice3A_69 = vector.extract_strided_slice %get3A_17 {offsets = [0, 640], sizes = [16, 128], strides = [1, 1]} : vector<16x1024xf32> to vector<16x128xf32>
    %broadcast_in_dim3A_70 = vector.shape_cast %slice3A_69 : vector<16x128xf32> to vector<16x1x128xf32>
    %broadcast_in_dim3A_71 = vector.shape_cast %broadcast_in_dim3A_70 : vector<16x1x128xf32> to vector<16x1x128xf32>
    %broadcast_in_dim3A_72 = vector.broadcast %broadcast_in_dim3A_71 : vector<16x1x128xf32> to vector<16x128x128xf32>
    %reshape3A_73 = vector.shape_cast %broadcast_in_dim3A_72 : vector<16x128x128xf32> to vector<2048x128xf32>
    %jit3A_74 = arith.constant 0.000000e+00 : f32
    %broadcast_in_dim3A_75 = vector.broadcast %jit3A_74 : f32 to vector<2048x128xf32>
    %select_n3A_76 = arith.select %eq3A_15, %reshape3A_73, %broadcast_in_dim3A_75 : vector<2048x128xi1>, vector<2048x128xf32>
    %reduce_sum3A_77 = arith.constant dense<0.000000e+00> : vector<2048xf32>
    %reduce_sum3A_78 = vector.multi_reduction <add>, %select_n3A_76, %reduce_sum3A_77 [1] : vector<2048x128xf32> to vector<2048xf32>
    %broadcast_in_dim3A_79 = vector.shape_cast %reduce_sum3A_78 : vector<2048xf32> to vector<2048x1xf32>
    %slice3A_80 = vector.extract_strided_slice %get3A_17 {offsets = [0, 768], sizes = [16, 128], strides = [1, 1]} : vector<16x1024xf32> to vector<16x128xf32>
    %broadcast_in_dim3A_81 = vector.shape_cast %slice3A_80 : vector<16x128xf32> to vector<16x1x128xf32>
    %broadcast_in_dim3A_82 = vector.shape_cast %broadcast_in_dim3A_81 : vector<16x1x128xf32> to vector<16x1x128xf32>
    %broadcast_in_dim3A_83 = vector.broadcast %broadcast_in_dim3A_82 : vector<16x1x128xf32> to vector<16x128x128xf32>
    %reshape3A_84 = vector.shape_cast %broadcast_in_dim3A_83 : vector<16x128x128xf32> to vector<2048x128xf32>
    %jit3A_85 = arith.constant 0.000000e+00 : f32
    %broadcast_in_dim3A_86 = vector.broadcast %jit3A_85 : f32 to vector<2048x128xf32>
    %select_n3A_87 = arith.select %eq3A_15, %reshape3A_84, %broadcast_in_dim3A_86 : vector<2048x128xi1>, vector<2048x128xf32>
    %reduce_sum3A_88 = arith.constant dense<0.000000e+00> : vector<2048xf32>
    %reduce_sum3A_89 = vector.multi_reduction <add>, %select_n3A_87, %reduce_sum3A_88 [1] : vector<2048x128xf32> to vector<2048xf32>
    %broadcast_in_dim3A_90 = vector.shape_cast %reduce_sum3A_89 : vector<2048xf32> to vector<2048x1xf32>
    %slice3A_91 = vector.extract_strided_slice %get3A_17 {offsets = [0, 896], sizes = [16, 128], strides = [1, 1]} : vector<16x1024xf32> to vector<16x128xf32>
    %broadcast_in_dim3A_92 = vector.shape_cast %slice3A_91 : vector<16x128xf32> to vector<16x1x128xf32>
    %broadcast_in_dim3A_93 = vector.shape_cast %broadcast_in_dim3A_92 : vector<16x1x128xf32> to vector<16x1x128xf32>
    %broadcast_in_dim3A_94 = vector.broadcast %broadcast_in_dim3A_93 : vector<16x1x128xf32> to vector<16x128x128xf32>
    %reshape3A_95 = vector.shape_cast %broadcast_in_dim3A_94 : vector<16x128x128xf32> to vector<2048x128xf32>
    %jit3A_96 = arith.constant 0.000000e+00 : f32
    %broadcast_in_dim3A_97 = vector.broadcast %jit3A_96 : f32 to vector<2048x128xf32>
    %select_n3A_98 = arith.select %eq3A_15, %reshape3A_95, %broadcast_in_dim3A_97 : vector<2048x128xi1>, vector<2048x128xf32>
    %reduce_sum3A_99 = arith.constant dense<0.000000e+00> : vector<2048xf32>
    %reduce_sum3A_100 = vector.multi_reduction <add>, %select_n3A_98, %reduce_sum3A_99 [1] : vector<2048x128xf32> to vector<2048xf32>
    %broadcast_in_dim3A_101 = vector.shape_cast %reduce_sum3A_100 : vector<2048xf32> to vector<2048x1xf32>
    %concatenate3A = tpu.concatenate %broadcast_in_dim3A_24, %broadcast_in_dim3A_35, %broadcast_in_dim3A_46, %broadcast_in_dim3A_57, %broadcast_in_dim3A_68, %broadcast_in_dim3A_79, %broadcast_in_dim3A_90, %broadcast_in_dim3A_101 in 1 : vector<2048x1xf32>, vector<2048x1xf32>, vector<2048x1xf32>, vector<2048x1xf32>, vector<2048x1xf32>, vector<2048x1xf32>, vector<2048x1xf32>, vector<2048x1xf32> -> vector<2048x8xf32>
    %get3A_102 = arith.constant 0 : index
    %get3A_103 = arith.constant 0 : index
    %get3A_104 = vector.load %arg3[%get3A_102, %get3A_103] : memref<16x128xf32, #tpu.memory_space<vmem>>, vector<16x128xf32>
    %broadcast_in_dim3A_105 = vector.shape_cast %get3A_104 : vector<16x128xf32> to vector<16x1x128xf32>
    %broadcast_in_dim3A_106 = vector.shape_cast %broadcast_in_dim3A_105 : vector<16x1x128xf32> to vector<16x1x128xf32>
    %broadcast_in_dim3A_107 = vector.broadcast %broadcast_in_dim3A_106 : vector<16x1x128xf32> to vector<16x128x128xf32>
    %reshape3A_108 = vector.shape_cast %broadcast_in_dim3A_107 : vector<16x128x128xf32> to vector<2048x128xf32>
    %jit3A_109 = arith.constant 0.000000e+00 : f32
    %broadcast_in_dim3A_110 = vector.broadcast %jit3A_109 : f32 to vector<2048x128xf32>
    %select_n3A_111 = arith.select %eq3A_15, %reshape3A_108, %broadcast_in_dim3A_110 : vector<2048x128xi1>, vector<2048x128xf32>
    %reduce_sum3A_112 = arith.constant dense<0.000000e+00> : vector<2048xf32>
    %reduce_sum3A_113 = vector.multi_reduction <add>, %select_n3A_111, %reduce_sum3A_112 [1] : vector<2048x128xf32> to vector<2048xf32>
    %broadcast_in_dim3A_114 = vector.shape_cast %reduce_sum3A_113 : vector<2048xf32> to vector<2048x1xf32>
    %get3A_115 = arith.constant 0 : index
    %get3A_116 = arith.constant 0 : index
    %get3A_117 = vector.load %arg4[%get3A_115, %get3A_116] : memref<8x768xf32, #tpu.memory_space<vmem>>, vector<8x768xf32>
    %dot_general3A = arith.constant dense<0.000000e+00> : vector<2048x768xf32>
    %dot_general3A_118 = tpu.matmul %concatenate3A, %get3A_117, %dot_general3A {dimension_numbers = #tpu.dot_dimension_numbers<[1], [0], [0], [1], [0, 0, 1, 1], [], []>, transpose_lhs_hint = false} : vector<2048x8xf32>, vector<8x768xf32>, vector<2048x768xf32> -> vector<2048x768xf32>
    %get3A_119 = arith.constant 0 : index
    %get3A_120 = arith.constant 0 : index
    %get3A_121 = arith.constant 0 : index
    %get3A_122 = vector.load %arg1[%get3A_119, %get3A_120, %get3A_121] : memref<16x128x768xf32, #tpu.memory_space<vmem>>, vector<16x128x768xf32>
    %reshape3A_123 = vector.shape_cast %get3A_122 : vector<16x128x768xf32> to vector<2048x768xf32>
    %get3A_124 = arith.constant 0 : index
    %get3A_125 = arith.constant 0 : index
    %get3A_126 = vector.load %arg5[%get3A_124, %get3A_125] : memref<128x768xf32, #tpu.memory_space<vmem>>, vector<128x768xf32>
    %broadcast_in_dim3A_127 = vector.shape_cast %get3A_126 : vector<128x768xf32> to vector<1x128x768xf32>
    %broadcast_in_dim3A_128 = vector.shape_cast %broadcast_in_dim3A_127 : vector<1x128x768xf32> to vector<1x128x768xf32>
    %broadcast_in_dim3A_129 = vector.broadcast %broadcast_in_dim3A_128 : vector<1x128x768xf32> to vector<16x128x768xf32>
    %reshape3A_130 = vector.shape_cast %broadcast_in_dim3A_129 : vector<16x128x768xf32> to vector<2048x768xf32>
    %add3A_131 = arith.addf %reshape3A_123, %dot_general3A_118 : vector<2048x768xf32>
    %mul3A = vector.broadcast %broadcast_in_dim3A_114 : vector<2048x1xf32> to vector<2048x768xf32>
    %mul3A_132 = arith.mulf %add3A_131, %mul3A : vector<2048x768xf32>
    %add3A_133 = arith.addf %mul3A_132, %reshape3A_130 : vector<2048x768xf32>
    %reshape3A_134 = vector.shape_cast %add3A_133 : vector<2048x768xf32> to vector<16x128x768xf32>
    %swap3A = arith.constant 0 : index
    %swap3A_135 = arith.constant 0 : index
    %swap3A_136 = arith.constant 0 : index
    %swap3A_137 = vector.load %arg6[%swap3A, %swap3A_135, %swap3A_136] : memref<16x128x768xf32, #tpu.memory_space<vmem>>, vector<16x128x768xf32>
    tpu.vector_store %arg6[%swap3A, %swap3A_135, %swap3A_136], %reshape3A_134 {strides = array<i32>} : memref<16x128x768xf32, #tpu.memory_space<vmem>>, vector<16x128x768xf32>,
    return
  }
  func.func @transform_0(%arg0: i32) -> (i32, i32, i32) {
    %c0_i32 = arith.constant 0 : i32
    %c0_i32_0 = arith.constant 0 : i32
    %c0_i32_1 = arith.constant 0 : i32
    return %arg0, %c0_i32, %c0_i32_0 : i32, i32, i32
  }
  func.func @transform_1(%arg0: i32) -> (i32, i32) {
    %c0_i32 = arith.constant 0 : i32
    %c0_i32_0 = arith.constant 0 : i32
    return %arg0, %c0_i32 : i32, i32
  }
  func.func @transform_2(%arg0: i32) -> (i32, i32) {
    %c0_i32 = arith.constant 0 : i32
    %c0_i32_0 = arith.constant 0 : i32
    return %arg0, %c0_i32 : i32, i32
  }
  func.func @transform_3(%arg0: i32) -> (i32, i32) {
    %c0_i32 = arith.constant 0 : i32
    %c0_i32_0 = arith.constant 0 : i32
    %c0_i32_1 = arith.constant 0 : i32
    return %c0_i32, %c0_i32_0 : i32, i32
  }
  func.func @transform_4(%arg0: i32) -> (i32, i32) {
    %c0_i32 = arith.constant 0 : i32
    %c0_i32_0 = arith.constant 0 : i32
    %c0_i32_1 = arith.constant 0 : i32
    return %c0_i32, %c0_i32_0 : i32, i32
  }
  func.func @transform_5(%arg0: i32) -> (i32, i32, i32) {
    %c0_i32 = arith.constant 0 : i32
    %c0_i32_0 = arith.constant 0 : i32
    %c0_i32_1 = arith.constant 0 : i32
    return %arg0, %c0_i32, %c0_i32_0 : i32, i32, i32
  }
}

</mosaic_0001>

<sc_bundles>
// kernel: kernel.5.cloned.1.call-start
scs
__scs_entry_jumppad:
0x0: {  	(pc) =	sbr.rel $0x88, $3  }
0x1: {  	(tag) =	ssettag $0x0;
	lr =	simm.s32 $0x1  }
0x2: {  	[smem:$0x3F9D] =	sst lr;
	_ =	strace $0xD0000000  }
0x3: {  	_ = 	snop  }
0x4: {  	_ = 	snop  }
0x5: {  	_ = 	snop  }
0x6: {  	_ = 	snop  }
0x7: {  	_ = 	snop  }
__scs_overlays_trampoline_lowered:
0x8: {  	[smem:$0x3FAC] =	sst s0  }
0x9: {  	[smem:$0x3FAD] =	sst s1  }
0xa: {  	[smem:$0x3FAE] =	sst s2  }
0xb: {  	[smem:$0x3FAF] =	sst s3  }
0xc: {  	[smem:$0x3FB0] =	sst s4  }
0xd: {  	[smem:$0x3FB1] =	sst s5  }
0xe: {  	[smem:$0x3FB2] =	sst s6  }
0xf: {  	[smem:$0x3FB3] =	sst s7  }
0x10: {  	[smem:$0x3FB4] =	sst s8  }
0x11: {  	[smem:$0x3FB5] =	sst s9;
	s0 =	simm.s32 @!p0 $0x0  }
0x12: {  	s1 =	sld [smem:$0x3F9B];
	s0 =	simm.s32 @p0 $0x1  }
0x13: {  	[smem:$0x3FB6] =	sst s0;
	s0 =	simm.s32 @!p1 $0x0  }
0x14: {  	s2 =	sld [smem:$0x3F9A];
	s0 =	simm.s32 @p1 $0x1  }
0x15: {  	[smem:$0x3FB7] =	sst s0;
	s0 =	simm.s32 @!p2 $0x0  }
0x16: {  	s3 =	sld [smem:$0x3FDB];
	s0 =	simm.s32 @p2 $0x1  }
0x17: {  	s4 =	simm.s32 $0x1BF5;
	[smem:$0x3FB9] =	sst s0  }
0x18: {  	s0 =	sld [smem:$0x3F9C];
	_ =	swait.ge [sflag:s4], $0x0  }
0x19: {  	s7 =	sld [smem:$0x3F9D]  }
0x1a: {  	s8 =	sadd.s32 $0xFFFFE003, lr  }
0x1b: {  	s9 =	sadd.s32 $0xFFFFFEF7, lr;
	s5 =	simm.s32 $0xFFFFFFFF;
	p2 =	slt.u32 s8, $0xFFFFF086  }
0x1c: {  	p1 =	slt.u32 s9, $0xF7A;
	s5 =	simm.s32 @!p2 $0x0  }
0x1d: {  	s5 =	simm.s32 @p1 $0x1;
	p0 =	seq.s32 s7, s2  }
0x1e: {  	s7 =	smul.u32 @!p0 $0xF7A, s2;
	p2 =	seq.s32 @!p0 s5, $0x0  }
0x1f: {  	s9 =	smul.u32 $0xF7A, s1;
	s8 =	simm.s32 @!p0 $0x1BF5;
	p2 =	por !p2, p0  }
0x20: {  	[sflag:s8] =	ssyncset.s32 @!p0 $0xFFFFF086;
	s6 =	sadd.s32 @!p0 s3, s7;
	s7 =	simm.s32 @!p0 $0x108  }
0x21: {  	s3 =	sadd.s32 s3, s9;
	s6 =	sadd.s32 @!p0 $0x88, s6;
	s7 =	simm.s32 @p2 $0x1082  }
0x22: {  	[simem:s7], [sflag:s8] =	dma.local @!p0 [hbm:s6], $0xF7A  }
0x23: {  	s9 =	sor.u32 $0xD0000000, s2;
	s6 =	simm.s32 $0x108;
	_ =	swait.ge @!p0 [sflag:s8], $0x0  }
0x24: {  	s3 =	sadd.s32 $0x88, s3;
	s6 =	simm.s32 @!p1 $0x1082;
	[sflag:s4] =	ssyncset.s32 $0xFFFFF086  }
0x25: {  	[simem:s6], [sflag:s4] =	dma.local [hbm:s3], $0xF7A  }
0x26: {  	[smem:$0x3F9D] =	sst s1;
	(tag) =	ssettag s2;
	_ =	strace s9  }
0x27: {  	s1 =	sld [smem:$0x3FAD]  }
0x28: {  	s2 =	sld [smem:$0x3FAE]  }
0x29: {  	s4 =	sld [smem:$0x3FB0]  }
0x2a: {  	p0 =	seq.s32 s5, $0x0;
	s5 =	sld [smem:$0x3FB1]  }
0x2b: {  	s6 =	sld [smem:$0x3FB2]  }
0x2c: {  	s7 =	sld [smem:$0x3FB3]  }
0x2d: {  	s3 =	simm.s32 $0x108;
	s8 =	sld [smem:$0x3FB4]  }
0x2e: {  	s3 =	simm.s32 @!p0 $0x1082;
	s9 =	sld [smem:$0x3FB5]  }
0x2f: {  	lr =	sadd.s32 s0, s3;
	s0 =	sld [smem:$0x3FAC]  }
0x30: {  	s3 =	sld [smem:$0x3FAF]  }
0x31: {  	[smem:$0x3FB8] =	sst s10  }
0x32: {  	s10 =	sld [smem:$0x3FB6];
	_ =	sdelay $0x3  }
0x33: {  	p0 =	seq.s32 s10, $0x1;
	s10 =	sld [smem:$0x3FB8];
	_ =	sdelay $0x3  }
0x34: {  	[smem:$0x3FB8] =	sst s10  }
0x35: {  	s10 =	sld [smem:$0x3FB7];
	_ =	sdelay $0x3  }
0x36: {  	p1 =	seq.s32 s10, $0x1;
	s10 =	sld [smem:$0x3FB8];
	_ =	sdelay $0x3  }
0x37: {  	[smem:$0x3FB8] =	sst s10  }
0x38: {  	s10 =	sld [smem:$0x3FB9]  }
0x39: {  	_ = 	snop;
	(pc) =	sbr.ind lr, $3  }
0x3a: {  	_ = 	snop  }
0x3b: {  	_ = 	snop  }
0x3c: {  	p2 =	seq.s32 s10, $0x1;
	s10 =	sld [smem:$0x3FB8]  }
0x3d: {  	_ =	shalt  }
0x3e: {  	_ =	shalt  }
0x3f: {  	_ =	shalt  }
0x40: {  	_ =	shalt  }
0x41: {  	_ =	shalt  }
0x42: {  	_ =	shalt  }
0x43: {  	_ =	shalt  }
0x44: {  	_ =	shalt  }
0x45: {  	_ =	shalt  }
0x46: {  	_ =	shalt  }
0x47: {  	_ =	shalt  }
0x48: {  	_ =	shalt  }
0x49: {  	_ =	shalt  }
0x4a: {  	_ =	shalt  }
0x4b: {  	_ =	shalt  }
0x4c: {  	_ =	shalt  }
0x4d: {  	_ =	shalt  }
0x4e: {  	_ =	shalt  }
0x4f: {  	_ =	shalt  }
0x50: {  	_ =	shalt  }
0x51: {  	_ =	shalt  }
0x52: {  	_ =	shalt  }
0x53: {  	_ =	shalt  }
0x54: {  	_ =	shalt  }
0x55: {  	_ =	shalt  }
0x56: {  	_ =	shalt  }
0x57: {  	_ =	shalt  }
0x58: {  	_ =	shalt  }
0x59: {  	_ =	shalt  }
0x5a: {  	_ =	shalt  }
0x5b: {  	_ =	shalt  }
0x5c: {  	_ =	shalt  }
0x5d: {  	_ =	shalt  }
0x5e: {  	_ =	shalt  }
0x5f: {  	_ =	shalt  }
0x60: {  	_ =	shalt  }
0x61: {  	_ =	shalt  }
0x62: {  	_ =	shalt  }
0x63: {  	_ =	shalt  }
0x64: {  	_ =	shalt  }
0x65: {  	_ =	shalt  }
0x66: {  	_ =	shalt  }
0x67: {  	_ =	shalt  }
0x68: {  	_ =	shalt  }
0x69: {  	_ =	shalt  }
0x6a: {  	_ =	shalt  }
0x6b: {  	_ =	shalt  }
0x6c: {  	_ =	shalt  }
0x6d: {  	_ =	shalt  }
0x6e: {  	_ =	shalt  }
0x6f: {  	_ =	shalt  }
0x70: {  	_ =	shalt  }
0x71: {  	_ =	shalt  }
0x72: {  	_ =	shalt  }
0x73: {  	_ =	shalt  }
0x74: {  	_ =	shalt  }
0x75: {  	_ =	shalt  }
0x76: {  	_ =	shalt  }
0x77: {  	_ =	shalt  }
0x78: {  	_ =	shalt  }
0x79: {  	_ =	shalt  }
0x7a: {  	_ =	shalt  }
0x7b: {  	_ =	shalt  }
0x7c: {  	_ =	shalt  }
0x7d: {  	_ =	shalt  }
0x7e: {  	_ =	shalt  }
0x7f: {  	_ =	shalt  }
0x80: {  	_ =	shalt  }
0x81: {  	_ =	shalt  }
0x82: {  	_ =	shalt  }
0x83: {  	_ =	shalt  }
0x84: {  	_ =	shalt  }
0x85: {  	_ =	shalt  }
0x86: {  	_ =	shalt  }
0x87: {  	_ =	shalt  }
.Lfunc_end0:
.L_simem_size_0:
called_computation_lowered:
.L_overlay_start_0:
0x88: {  	s2 =	sld [smem:$0x3FD9]  }
0x89: {  	s3 =	sld [smem:$0x3FFE];
	_ =	sdelay $0x1  }
0x8a: {  	s1 =	srdreg.scid  }
0x8b: {  	s0 =	sand.u32 $0x1, s1  }
0x8c: {  	s17 =	sshll.u32 s0, $0xA;
	s2 =	sadd.s32 s3, s2  }
0x8d: {  	s2 =	sadd.s32 s2, s17  }
0x8e: {  	[smem:$0x3FC4] =	sst s2  }
0x8f: {  	_ = 	snop  }
0x90: {  	s2 =	sld [smem:$0x3FC7]  }
0x91: {  	s18 =	sld [smem:$0x3FD0];
	(tm) =	ssettm $0x1  }
0x92: {  	s4 =	sld [smem:$0x3FFB];
	_ =	sdelay $0x3  }
0x93: {  	_ =	strace s4  }
0x94: {  	s4 =	sld [smem:$0x3FFC];
	_ =	sdelay $0x3  }
0x95: {  	_ =	strace s4  }
0x96: {  	s4 =	sld [smem:$0x3FFD];
	_ =	sdelay $0x3  }
0x97: {  	_ =	strace s4  }
0x98: {  	_ =	strace $0x8FFFFFFF  }
0x99: {  	s19 =	sld [smem:$0x3FDB];
	_ =	sdelay $0x1  }
0x9a: {  	s5 =	simm.s32 $_scs_section_size  }
0x9b: {  	s6 =	simm.s32 $_size__tile_overlayer_lowered;
	s7 =	simm.s32 $_tile_overlayer_lowered  }
0x9c: {  	s22 =	simm.s32 $0x1BFF;
	s21 =	sshll.u32 s7, $0x1;
	s4 =	sadd.s32 s5, s19  }
0x9d: {  	s8 =	simm.s32 $0x0;
	s20 =	sshll.u32 s6, $0x1;
	s6 =	sadd.s32 s21, s4  }
0x9e: {  	[timem:s8], [sflag:s22] =	dma.local [hbm:s6], s20  }
0x9f: {  	_ =	swait.ge [sflag:s22], s20  }
0xa0: {  	s5 =	ssub.s32 $0x0, s20;
	[sflag:s22] =	ssyncset.done $0x0  }
0xa1: {  	[sflag:s22] =	ssyncadd.s32 s5;
	_ =	sdelay $0x1  }
0xa2: {  	s23 =	simm.s32 $0x1B8B  }
0xa3: {  	_ =	swait.ge [sflag:s23], $0x1  }
0xa4: {  	[sflag:s23] =	ssyncset.done $0x0  }
0xa5: {  	s25 =	simm.s32 $0x1B8E;
	s24 =	sld [smem:$0x3FFE];
	[sflag:s23] =	ssyncadd.s32 $0xFFFFFFFF  }
0xa6: {  	s26 =	simm.s32 $execute0_lowered;
	[smem:$0x3FD2] =	sst s25  }
0xa7: {  	s6 =	sshll.u32 s26, $0x1;
	_ =	strace $0x80000046;
	[dreg:$0x1] =	wrdreg $0xFFFFFFFF  }
0xa8: {  	s28 =	simm.s32 $_size_execute0_lowered;
	s4 =	sadd.s32 s4, s6;
	[dreg:$0x0] =	wrdreg $0x0  }
0xa9: {  	s6 =	sshll.u32 s28, $0x1;
	[dreg:$0x2] =	wrdreg s4  }
0xaa: {  	[dreg:$0x3] =	wrdreg s6  }
0xab: {  	[dreg:$0x4] =	wrdreg $0xC0  }
0xac: {  	_ =	task [dreg:s8], $0x5FFFF  }
0xad: {  	[dreg:$0x1] =	wrdreg $0xFFFFFFFF  }
0xae: {  	[dreg:$0x0] =	wrdreg $0x60  }
0xaf: {  	[dreg:$0x2] =	wrdreg s2  }
0xb0: {  	[dreg:$0x3] =	wrdreg s18  }
0xb1: {  	[dreg:$0x4] =	wrdreg s24  }
0xb2: {  	[dreg:$0x5] =	wrdreg $0x9  }
0xb3: {  	_ =	task.clear_ibuf [dreg:s8], $0x6FFFF;
	_ =	strace $0x90000046  }
0xb4: {  	s29 =	simm.s32 $0x9;
	_ =	strace $0x80000048  }
0xb5: {  	_ =	swait.ge [sflag:s29], $0x1  }
0xb6: {  	[sflag:s29] =	ssyncadd.s32 $0xFFFFFFFF  }
0xb7: {  	_ =	strace $0x90000048  }
0xb8: {  	_ =	sfence  }
0xb9: {  	s30 =	sld [smem:$0x0];
	_ =	sdelay $0x2  }
0xba: {  	s31 =	sshll.u32 s1, $0xD;
	s1 =	sshrl.u32 s1, $0x2  }
0xbb: {  	s3 =	sand.u32 $0x4000, s31;
	s1 =	sadd.s32 s1, s30  }
0xbc: {  	s0 =	sor.u32 s3, s0;
	s1 =	sshll.u32 s1, $0x11  }
0xbd: {  	s0 =	sor.u32 s1, s0  }
0xbe: {  	s0 =	sadd.s32 $0x8F2B, s0  }
0xbf: {  	[sflag:s0] =	ssyncadd.remote.s32 $0x1  }
0xc0: {  	_ =	sfence.sel $0xFFFF  }
0xc1: {  	[dreg:$0x0] =	wrdreg $0xFFFFFFFF;
	(pc) =	sbr.abs _section_cstart, $3  }
0xc2: {  	[dreg:$0x1] =	wrdreg $0xFFFFFFFF  }
0xc3: {  	_ =	task.clear_ibuf [dreg:s8], $0x2FFFF;
	_ =	strace $0x9FFFFFFF  }
0xc4: {  	(tm) =	ssettm $0x7FFFFFFF  }
0xc5: {  	_ =	shalt  }
tec
execute0_lowered:
.L_overlay_start_1:
0x0: {  	(tag) =	ssettag $0x1  }
0x1: {  	s1 =	rddreg [dreg:$0x0]  }
0x2: {  	s0 =	rddreg [dreg:$0x1];
	s2 =	srdreg.scid  }
0x3: {  	s3 =	stileid.u32;
	s4 =	rddreg [dreg:$0x2]  }
0x4: {  	s18 =	simm.s32 $0x400;
	s8 =	simm.s32 $0x3;
	s10 =	simm.s32 $0x2  }
0x5: {  	s11 =	simm.s32 $0x4;
	s2 =	sand.u32 $0x1, s2;
	s5 =	sshll.u32 s3, $0x1  }
0x6: {  	s3 =	simm.s32 $0x0;
	s4 =	sadd.s32 $0xE00, s4;
	s5 =	sor.u32 s2, s5  }
0x7: {  	[smem:$0x7FF] =	sst s3;
	s6 =	smul.u32 $0xC000, s5;
	s7 =	sshll.u32 s5, $0x7  }
0x8: {  	s2 =	ssub.s32 $0x2, s2;
	s5 =	smul.u32 $0x60000, s5;
	s0 =	sadd.s32 s0, s7  }
0x9: {  	_ =	strace $0x80000047;
	s6 =	sadd.s32 s4, s6;
	[dreg:$0x4] =	wrdreg s0  }
0xa: {  	s5 =	sshrl.u32 s5, $0x3;
	s23 =	sadd.s32 $0x1800, s6;
	[dreg:$0xc] =	wrdreg s6  }
0xb: {  	s24 =	sadd.s32 $0x3000, s6;
	s4 =	sadd.s32 s4, s5;
	[dreg:$0x5] =	wrdreg s23  }
0xc: {  	s29 =	sshrl.u32 s2, $0x1;
	[dreg:$0x6] =	wrdreg s24;
	s25 =	sadd.s32 $0x4800, s4  }
0xd: {  	s2 =	ssub.s32 s2, s29;
	s26 =	sadd.s32 $0x6000, s4;
	[dreg:$0x7] =	wrdreg s25  }
0xe: {  	s7 =	smax.u32 s2, $0x1;
	s28 =	sadd.s32 $0x7800, s4;
	[dreg:$0x8] =	wrdreg s26  }
0xf: {  	v2 =	vlaneseq.u32;
	s0 =	simm.s32 $0x1;
	s30 =	sadd.s32 $0x9000, s4;
	[dreg:$0x9] =	wrdreg s28  }
0x10: {  	vm0 =	vmmov $0xffff;
	v1 =	vshrl.u32 v2, $0x3;
	s5 =	sadd.s32 $0x100, s1;
	s31 =	sadd.s32 $0xA800, s4;
	[dreg:$0xa] =	wrdreg s30  }
0x11: {  	v0 =	vand.u32 $0x7, v2;
	v2 =	vor.u32 $0x8, v2;
	v1 =	vmul.u32 $0x8, v1;
	s6 =	sadd.s32 $0x200, s1;
	s4 =	simm.s32 $0xC400;
	[dreg:$0xb] =	wrdreg s31  }
.LBB2_1:
0x12: {  	s12 =	rddreg [dreg:$0x4];
	s2 =	simm.s32 $0x5  }
0x13: {  	[tilespmem:s3], [sflag:$0x5] =	stream.linear.gather [hbm4b:s12+s3], $0x400, $0x38;
	[tilespmem:$0x18400] =	vst v63  }
0x14: {  	_ =	swait.ge [sflag:s2], $0x400  }
0x15: {  	[sflag:s2] =	ssyncset.done $0x0  }
0x16: {  	[sflag:s2] =	ssyncadd.s32 $0xFFFFFC00  }
0x17: {  	v3 =	vld [tilespmem:$0x0];
	_ =	sdelay $0x4  }
0x18: {  	v4 =	vshrl.u32 v3, $0x3  }
0x19: {  	v4 =	vmul.u32 $0x30, v4  }
0x1a: {  	v3 =	vand.u32 $0x7, v3  }
0x1b: {  	v3 =	vor.u32 v3, v4  }
0x1c: {  	v4 =	vperm.xlane v3, v0;
	_ =	sdelay $0x1  }
0x1d: {  	v4 =	vadd.s32 v1, v4;
	_ =	sdelay $0x3  }
0x1e: {  	v3 =	vperm.xlane v3, v2  }
0x1f: {  	[tilespmem:s18], [sflag:$0x1] =	stream.indirect_vreg.gather [hbm4b:s1+s3], $0x80, v4, vm0, $0xb8;
	[tilespmem:$0x18400] =	vst v63  }
0x20: {  	s2 =	simm.s32 $0xC00;
	v3 =	vadd.s32 v1, v3  }
0x21: {  	[tilespmem:s2], [sflag:$0x1] =	stream.indirect_vreg.gather [hbm4b:s5+s3], $0x80, v4, vm0, $0xb8;
	[tilespmem:$0x18400] =	vst v63  }
0x22: {  	s9 =	simm.s32 $0x1400  }
0x23: {  	[tilespmem:s9], [sflag:$0x1] =	stream.indirect_vreg.gather [hbm4b:s6+s3], $0x80, v4, vm0, $0xb8;
	[tilespmem:$0x18400] =	vst v63  }
0x24: {  	s12 =	simm.s32 $0x1C00  }
0x25: {  	[tilespmem:s12], [sflag:$0x1] =	stream.indirect_vreg.gather [hbm4b:s1+s3], $0x80, v3, vm0, $0xb8;
	[tilespmem:$0x18400] =	vst v63  }
0x26: {  	s13 =	simm.s32 $0x2400  }
0x27: {  	[tilespmem:s13], [sflag:$0x1] =	stream.indirect_vreg.gather [hbm4b:s5+s3], $0x80, v3, vm0, $0xb8;
	[tilespmem:$0x18400] =	vst v63  }
0x28: {  	s14 =	simm.s32 $0x2C00  }
0x29: {  	[tilespmem:s14], [sflag:$0x1] =	stream.indirect_vreg.gather [hbm4b:s6+s3], $0x80, v3, vm0, $0xb8;
	[tilespmem:$0x18400] =	vst v63  }
0x2a: {  	v3 =	vld [tilespmem:$0x10];
	_ =	sdelay $0x4  }
0x2b: {  	v33 =	vshrl.u32 v3, $0x3  }
0x2c: {  	v4 =	vmul.u32 $0x30, v33  }
0x2d: {  	v3 =	vand.u32 $0x7, v3  }
0x2e: {  	v3 =	vor.u32 v3, v4  }
0x2f: {  	v4 =	vperm.xlane v3, v0;
	_ =	sdelay $0x1  }
0x30: {  	v4 =	vadd.s32 v1, v4;
	_ =	sdelay $0x3  }
0x31: {  	s15 =	simm.s32 $0x3400;
	v3 =	vperm.xlane v3, v2  }
0x32: {  	[tilespmem:s15], [sflag:$0x1] =	stream.indirect_vreg.gather [hbm4b:s1+s3], $0x80, v4, vm0, $0xb8;
	[tilespmem:$0x18400] =	vst v63  }
0x33: {  	s16 =	simm.s32 $0x3C00;
	v3 =	vadd.s32 v1, v3  }
0x34: {  	[tilespmem:s16], [sflag:$0x1] =	stream.indirect_vreg.gather [hbm4b:s5+s3], $0x80, v4, vm0, $0xb8;
	[tilespmem:$0x18400] =	vst v63  }
0x35: {  	s17 =	simm.s32 $0x4400  }
0x36: {  	[tilespmem:s17], [sflag:$0x1] =	stream.indirect_vreg.gather [hbm4b:s6+s3], $0x80, v4, vm0, $0xb8;
	[tilespmem:$0x18400] =	vst v63  }
0x37: {  	s19 =	simm.s32 $0x4C00  }
0x38: {  	[tilespmem:s19], [sflag:$0x1] =	stream.indirect_vreg.gather [hbm4b:s1+s3], $0x80, v3, vm0, $0xb8;
	[tilespmem:$0x18400] =	vst v63  }
0x39: {  	s20 =	simm.s32 $0x5400  }
0x3a: {  	[tilespmem:s20], [sflag:$0x1] =	stream.indirect_vreg.gather [hbm4b:s5+s3], $0x80, v3, vm0, $0xb8;
	[tilespmem:$0x18400] =	vst v63  }
0x3b: {  	s21 =	simm.s32 $0x5C00  }
0x3c: {  	[tilespmem:s21], [sflag:$0x1] =	stream.indirect_vreg.gather [hbm4b:s6+s3], $0x80, v3, vm0, $0xb8;
	[tilespmem:$0x18400] =	vst v63  }
0x3d: {  	v3 =	vld [tilespmem:$0x20];
	_ =	sdelay $0x4  }
0x3e: {  	v34 =	vshrl.u32 v3, $0x3  }
0x3f: {  	v4 =	vmul.u32 $0x30, v34  }
0x40: {  	v3 =	vand.u32 $0x7, v3  }
0x41: {  	v3 =	vor.u32 v3, v4  }
0x42: {  	v4 =	vperm.xlane v3, v0;
	_ =	sdelay $0x1  }
0x43: {  	v4 =	vadd.s32 v1, v4;
	_ =	sdelay $0x3  }
0x44: {  	s22 =	simm.s32 $0x6400;
	v3 =	vperm.xlane v3, v2  }
0x45: {  	[tilespmem:s22], [sflag:$0x1] =	stream.indirect_vreg.gather [hbm4b:s1+s3], $0x80, v4, vm0, $0xb8;
	[tilespmem:$0x18400] =	vst v63  }
0x46: {  	s23 =	simm.s32 $0x6C00;
	v3 =	vadd.s32 v1, v3  }
0x47: {  	[tilespmem:s23], [sflag:$0x1] =	stream.indirect_vreg.gather [hbm4b:s5+s3], $0x80, v4, vm0, $0xb8;
	[tilespmem:$0x18400] =	vst v63  }
0x48: {  	s24 =	simm.s32 $0x7400  }
0x49: {  	[tilespmem:s24], [sflag:$0x1] =	stream.indirect_vreg.gather [hbm4b:s6+s3], $0x80, v4, vm0, $0xb8;
	[tilespmem:$0x18400] =	vst v63  }
0x4a: {  	s25 =	simm.s32 $0x7C00  }
0x4b: {  	[tilespmem:s25], [sflag:$0x1] =	stream.indirect_vreg.gather [hbm4b:s1+s3], $0x80, v3, vm0, $0xb8;
	[tilespmem:$0x18400] =	vst v63  }
0x4c: {  	s28 =	simm.s32 $0x8400  }
0x4d: {  	[tilespmem:s28], [sflag:$0x1] =	stream.indirect_vreg.gather [hbm4b:s5+s3], $0x80, v3, vm0, $0xb8;
	[tilespmem:$0x18400] =	vst v63  }
0x4e: {  	s29 =	simm.s32 $0x8C00  }
0x4f: {  	[tilespmem:s29], [sflag:$0x1] =	stream.indirect_vreg.gather [hbm4b:s6+s3], $0x80, v3, vm0, $0xb8;
	[tilespmem:$0x18400] =	vst v63  }
0x50: {  	v3 =	vld [tilespmem:$0x30];
	_ =	sdelay $0x4  }
0x51: {  	v35 =	vshrl.u32 v3, $0x3  }
0x52: {  	v4 =	vmul.u32 $0x30, v35  }
0x53: {  	v3 =	vand.u32 $0x7, v3  }
0x54: {  	v3 =	vor.u32 v3, v4  }
0x55: {  	v4 =	vperm.xlane v3, v0;
	_ =	sdelay $0x1  }
0x56: {  	v4 =	vadd.s32 v1, v4;
	_ =	sdelay $0x3  }
0x57: {  	s30 =	simm.s32 $0x9400;
	v3 =	vperm.xlane v3, v2  }
0x58: {  	[tilespmem:s30], [sflag:$0x1] =	stream.indirect_vreg.gather [hbm4b:s1+s3], $0x80, v4, vm0, $0xb8;
	[tilespmem:$0x18400] =	vst v63  }
0x59: {  	s9 =	simm.s32 $0x9C00;
	v3 =	vadd.s32 v1, v3  }
0x5a: {  	[tilespmem:s9], [sflag:$0x1] =	stream.indirect_vreg.gather [hbm4b:s5+s3], $0x80, v4, vm0, $0xb8;
	[tilespmem:$0x18400] =	vst v63  }
0x5b: {  	s12 =	simm.s32 $0xA400  }
0x5c: {  	[tilespmem:s12], [sflag:$0x1] =	stream.indirect_vreg.gather [hbm4b:s6+s3], $0x80, v4, vm0, $0xb8;
	[tilespmem:$0x18400] =	vst v63  }
0x5d: {  	s16 =	simm.s32 $0xAC00  }
0x5e: {  	[tilespmem:s16], [sflag:$0x1] =	stream.indirect_vreg.gather [hbm4b:s1+s3], $0x80, v3, vm0, $0xb8;
	[tilespmem:$0x18400] =	vst v63  }
0x5f: {  	s17 =	simm.s32 $0xB400  }
0x60: {  	[tilespmem:s17], [sflag:$0x1] =	stream.indirect_vreg.gather [hbm4b:s5+s3], $0x80, v3, vm0, $0xb8;
	[tilespmem:$0x18400] =	vst v63  }
0x61: {  	s19 =	simm.s32 $0xBC00  }
0x62: {  	[tilespmem:s19], [sflag:$0x1] =	stream.indirect_vreg.gather [hbm4b:s6+s3], $0x80, v3, vm0, $0xb8;
	[tilespmem:$0x18400] =	vst v63  }
0x63: {  	v3 =	vld [tilespmem:$0x80];
	_ =	sdelay $0x4  }
0x64: {  	v36 =	vshrl.u32 v3, $0x3  }
0x65: {  	v4 =	vmul.u32 $0x30, v36  }
0x66: {  	v3 =	vand.u32 $0x7, v3  }
0x67: {  	v3 =	vor.u32 v3, v4  }
0x68: {  	v4 =	vperm.xlane v3, v0;
	_ =	sdelay $0x1  }
0x69: {  	v4 =	vadd.s32 v1, v4;
	_ =	sdelay $0x3  }
0x6a: {  	v3 =	vperm.xlane v3, v2  }
0x6b: {  	[tilespmem:s4], [sflag:$0x2] =	stream.indirect_vreg.gather [hbm4b:s1+s3], $0x80, v4, vm0, $0xb8;
	[tilespmem:$0x18400] =	vst v63  }
0x6c: {  	s20 =	simm.s32 $0xCC00;
	v3 =	vadd.s32 v1, v3  }
0x6d: {  	[tilespmem:s20], [sflag:$0x2] =	stream.indirect_vreg.gather [hbm4b:s5+s3], $0x80, v4, vm0, $0xb8;
	[tilespmem:$0x18400] =	vst v63  }
0x6e: {  	s21 =	simm.s32 $0xD400  }
0x6f: {  	[tilespmem:s21], [sflag:$0x2] =	stream.indirect_vreg.gather [hbm4b:s6+s3], $0x80, v4, vm0, $0xb8;
	[tilespmem:$0x18400] =	vst v63  }
0x70: {  	s22 =	simm.s32 $0xDC00  }
0x71: {  	[tilespmem:s22], [sflag:$0x2] =	stream.indirect_vreg.gather [hbm4b:s1+s3], $0x80, v3, vm0, $0xb8;
	[tilespmem:$0x18400] =	vst v63  }
0x72: {  	s23 =	simm.s32 $0xE400  }
0x73: {  	[tilespmem:s23], [sflag:$0x2] =	stream.indirect_vreg.gather [hbm4b:s5+s3], $0x80, v3, vm0, $0xb8;
	[tilespmem:$0x18400] =	vst v63  }
0x74: {  	s24 =	simm.s32 $0xEC00  }
0x75: {  	[tilespmem:s24], [sflag:$0x2] =	stream.indirect_vreg.gather [hbm4b:s6+s3], $0x80, v3, vm0, $0xb8;
	[tilespmem:$0x18400] =	vst v63  }
0x76: {  	v3 =	vld [tilespmem:$0x90];
	_ =	sdelay $0x4  }
0x77: {  	v37 =	vshrl.u32 v3, $0x3  }
0x78: {  	v4 =	vmul.u32 $0x30, v37  }
0x79: {  	v3 =	vand.u32 $0x7, v3  }
0x7a: {  	v3 =	vor.u32 v3, v4  }
0x7b: {  	v4 =	vperm.xlane v3, v0;
	_ =	sdelay $0x1  }
0x7c: {  	v4 =	vadd.s32 v1, v4;
	_ =	sdelay $0x3  }
0x7d: {  	s25 =	simm.s32 $0xF400;
	v3 =	vperm.xlane v3, v2  }
0x7e: {  	[tilespmem:s25], [sflag:$0x2] =	stream.indirect_vreg.gather [hbm4b:s1+s3], $0x80, v4, vm0, $0xb8;
	[tilespmem:$0x18400] =	vst v63  }
0x7f: {  	s28 =	simm.s32 $0xFC00;
	v3 =	vadd.s32 v1, v3  }
0x80: {  	[tilespmem:s28], [sflag:$0x2] =	stream.indirect_vreg.gather [hbm4b:s5+s3], $0x80, v4, vm0, $0xb8;
	[tilespmem:$0x18400] =	vst v63  }
0x81: {  	s29 =	simm.s32 $0x10400  }
0x82: {  	[tilespmem:s29], [sflag:$0x2] =	stream.indirect_vreg.gather [hbm4b:s6+s3], $0x80, v4, vm0, $0xb8;
	[tilespmem:$0x18400] =	vst v63  }
0x83: {  	s30 =	simm.s32 $0x10C00  }
0x84: {  	[tilespmem:s30], [sflag:$0x2] =	stream.indirect_vreg.gather [hbm4b:s1+s3], $0x80, v3, vm0, $0xb8;
	[tilespmem:$0x18400] =	vst v63  }
0x85: {  	s2 =	simm.s32 $0x11400  }
0x86: {  	[tilespmem:s2], [sflag:$0x2] =	stream.indirect_vreg.gather [hbm4b:s5+s3], $0x80, v3, vm0, $0xb8;
	[tilespmem:$0x18400] =	vst v63  }
0x87: {  	s9 =	simm.s32 $0x11C00  }
0x88: {  	[tilespmem:s9], [sflag:$0x2] =	stream.indirect_vreg.gather [hbm4b:s6+s3], $0x80, v3, vm0, $0xb8;
	[tilespmem:$0x18400] =	vst v63  }
0x89: {  	v3 =	vld [tilespmem:$0xA0];
	_ =	sdelay $0x4  }
0x8a: {  	v38 =	vshrl.u32 v3, $0x3  }
0x8b: {  	v4 =	vmul.u32 $0x30, v38  }
0x8c: {  	v3 =	vand.u32 $0x7, v3  }
0x8d: {  	v3 =	vor.u32 v3, v4  }
0x8e: {  	v4 =	vperm.xlane v3, v0;
	_ =	sdelay $0x1  }
0x8f: {  	v4 =	vadd.s32 v1, v4;
	_ =	sdelay $0x3  }
0x90: {  	s16 =	simm.s32 $0x12400;
	v3 =	vperm.xlane v3, v2  }
0x91: {  	[tilespmem:s16], [sflag:$0x2] =	stream.indirect_vreg.gather [hbm4b:s1+s3], $0x80, v4, vm0, $0xb8;
	[tilespmem:$0x18400] =	vst v63  }
0x92: {  	s20 =	simm.s32 $0x12C00;
	v3 =	vadd.s32 v1, v3  }
0x93: {  	[tilespmem:s20], [sflag:$0x2] =	stream.indirect_vreg.gather [hbm4b:s5+s3], $0x80, v4, vm0, $0xb8;
	[tilespmem:$0x18400] =	vst v63  }
0x94: {  	s21 =	simm.s32 $0x13400  }
0x95: {  	[tilespmem:s21], [sflag:$0x2] =	stream.indirect_vreg.gather [hbm4b:s6+s3], $0x80, v4, vm0, $0xb8;
	[tilespmem:$0x18400] =	vst v63  }
0x96: {  	s22 =	simm.s32 $0x13C00  }
0x97: {  	[tilespmem:s22], [sflag:$0x2] =	stream.indirect_vreg.gather [hbm4b:s1+s3], $0x80, v3, vm0, $0xb8;
	[tilespmem:$0x18400] =	vst v63  }
0x98: {  	s23 =	simm.s32 $0x14400  }
0x99: {  	[tilespmem:s23], [sflag:$0x2] =	stream.indirect_vreg.gather [hbm4b:s5+s3], $0x80, v3, vm0, $0xb8;
	[tilespmem:$0x18400] =	vst v63  }
0x9a: {  	s24 =	simm.s32 $0x14C00  }
0x9b: {  	[tilespmem:s24], [sflag:$0x2] =	stream.indirect_vreg.gather [hbm4b:s6+s3], $0x80, v3, vm0, $0xb8;
	[tilespmem:$0x18400] =	vst v63  }
0x9c: {  	v3 =	vld [tilespmem:$0xB0];
	_ =	sdelay $0x4  }
0x9d: {  	v39 =	vshrl.u32 v3, $0x3  }
0x9e: {  	v4 =	vmul.u32 $0x30, v39  }
0x9f: {  	v3 =	vand.u32 $0x7, v3  }
0xa0: {  	v3 =	vor.u32 v3, v4  }
0xa1: {  	v4 =	vperm.xlane v3, v0;
	_ =	sdelay $0x1  }
0xa2: {  	v4 =	vadd.s32 v1, v4;
	_ =	sdelay $0x3  }
0xa3: {  	s25 =	simm.s32 $0x15400;
	v3 =	vperm.xlane v3, v2  }
0xa4: {  	[tilespmem:s25], [sflag:$0x2] =	stream.indirect_vreg.gather [hbm4b:s1+s3], $0x80, v4, vm0, $0xb8;
	[tilespmem:$0x18400] =	vst v63  }
0xa5: {  	s28 =	simm.s32 $0x15C00;
	v3 =	vadd.s32 v1, v3  }
0xa6: {  	[tilespmem:s28], [sflag:$0x2] =	stream.indirect_vreg.gather [hbm4b:s5+s3], $0x80, v4, vm0, $0xb8;
	[tilespmem:$0x18400] =	vst v63  }
0xa7: {  	s29 =	simm.s32 $0x16400  }
0xa8: {  	[tilespmem:s29], [sflag:$0x2] =	stream.indirect_vreg.gather [hbm4b:s6+s3], $0x80, v4, vm0, $0xb8;
	[tilespmem:$0x18400] =	vst v63  }
0xa9: {  	s30 =	simm.s32 $0x16C00  }
0xaa: {  	[tilespmem:s30], [sflag:$0x2] =	stream.indirect_vreg.gather [hbm4b:s1+s3], $0x80, v3, vm0, $0xb8;
	[tilespmem:$0x18400] =	vst v63  }
0xab: {  	s2 =	simm.s32 $0x17400  }
0xac: {  	[tilespmem:s2], [sflag:$0x2] =	stream.indirect_vreg.gather [hbm4b:s5+s3], $0x80, v3, vm0, $0xb8;
	[tilespmem:$0x18400] =	vst v63  }
0xad: {  	s9 =	simm.s32 $0x17C00  }
0xae: {  	[tilespmem:s9], [sflag:$0x2] =	stream.indirect_vreg.gather [hbm4b:s6+s3], $0x80, v3, vm0, $0xb8;
	[tilespmem:$0x18400] =	vst v63  }
0xaf: {  	_ =	swait.ge [sflag:s0], $0xC000  }
0xb0: {  	[sflag:s0] =	ssyncset.done $0x0  }
0xb1: {  	s16 =	rddreg [dreg:$0xc];
	[sflag:s0] =	ssyncadd.s32 $0xFFFF4000  }
0xb2: {  	[hbm4b:s16+s3] =	stream.linear.scatter [tilespmem:s18], [sflag:$0x3], $0xC000, $0x38;
	[tilespmem:$0x18400] =	vst v63  }
0xb3: {  	_ =	swait.ge [sflag:s8], $0xC000  }
0xb4: {  	[sflag:s8] =	ssyncset.done $0x0  }
0xb5: {  	[sflag:s8] =	ssyncadd.s32 $0xFFFF4000  }
0xb6: {  	v3 =	vld [tilespmem:$0x100];
	_ =	sdelay $0x4  }
0xb7: {  	v40 =	vshrl.u32 v3, $0x3  }
0xb8: {  	v4 =	vmul.u32 $0x30, v40  }
0xb9: {  	v3 =	vand.u32 $0x7, v3  }
0xba: {  	v3 =	vor.u32 v3, v4  }
0xbb: {  	v4 =	vperm.xlane v3, v0;
	_ =	sdelay $0x1  }
0xbc: {  	v4 =	vadd.s32 v1, v4;
	_ =	sdelay $0x3  }
0xbd: {  	v3 =	vperm.xlane v3, v2  }
0xbe: {  	[tilespmem:s18], [sflag:$0x1] =	stream.indirect_vreg.gather [hbm4b:s1+s3], $0x80, v4, vm0, $0xb8;
	[tilespmem:$0x18400] =	vst v63  }
0xbf: {  	s2 =	simm.s32 $0xC00;
	v3 =	vadd.s32 v1, v3  }
0xc0: {  	[tilespmem:s2], [sflag:$0x1] =	stream.indirect_vreg.gather [hbm4b:s5+s3], $0x80, v4, vm0, $0xb8;
	[tilespmem:$0x18400] =	vst v63  }
0xc1: {  	s9 =	simm.s32 $0x1400  }
0xc2: {  	[tilespmem:s9], [sflag:$0x1] =	stream.indirect_vreg.gather [hbm4b:s6+s3], $0x80, v4, vm0, $0xb8;
	[tilespmem:$0x18400] =	vst v63  }
0xc3: {  	s20 =	simm.s32 $0x1C00  }
0xc4: {  	[tilespmem:s20], [sflag:$0x1] =	stream.indirect_vreg.gather [hbm4b:s1+s3], $0x80, v3, vm0, $0xb8;
	[tilespmem:$0x18400] =	vst v63  }
0xc5: {  	s21 =	simm.s32 $0x2400  }
0xc6: {  	[tilespmem:s21], [sflag:$0x1] =	stream.indirect_vreg.gather [hbm4b:s5+s3], $0x80, v3, vm0, $0xb8;
	[tilespmem:$0x18400] =	vst v63  }
0xc7: {  	s13 =	simm.s32 $0x2C00  }
0xc8: {  	[tilespmem:s13], [sflag:$0x1] =	stream.indirect_vreg.gather [hbm4b:s6+s3], $0x80, v3, vm0, $0xb8;
	[tilespmem:$0x18400] =	vst v63  }
0xc9: {  	v3 =	vld [tilespmem:$0x110];
	_ =	sdelay $0x4  }
0xca: {  	v41 =	vshrl.u32 v3, $0x3  }
0xcb: {  	v4 =	vmul.u32 $0x30, v41  }
0xcc: {  	v3 =	vand.u32 $0x7, v3  }
0xcd: {  	v3 =	vor.u32 v3, v4  }
0xce: {  	v4 =	vperm.xlane v3, v0;
	_ =	sdelay $0x1  }
0xcf: {  	v4 =	vadd.s32 v1, v4;
	_ =	sdelay $0x3  }
0xd0: {  	s14 =	simm.s32 $0x3400;
	v3 =	vperm.xlane v3, v2  }
0xd1: {  	[tilespmem:s14], [sflag:$0x1] =	stream.indirect_vreg.gather [hbm4b:s1+s3], $0x80, v4, vm0, $0xb8;
	[tilespmem:$0x18400] =	vst v63  }
0xd2: {  	s22 =	simm.s32 $0x3C00;
	v3 =	vadd.s32 v1, v3  }
0xd3: {  	[tilespmem:s22], [sflag:$0x1] =	stream.indirect_vreg.gather [hbm4b:s5+s3], $0x80, v4, vm0, $0xb8;
	[tilespmem:$0x18400] =	vst v63  }
0xd4: {  	s23 =	simm.s32 $0x4400  }
0xd5: {  	[tilespmem:s23], [sflag:$0x1] =	stream.indirect_vreg.gather [hbm4b:s6+s3], $0x80, v4, vm0, $0xb8;
	[tilespmem:$0x18400] =	vst v63  }
0xd6: {  	s24 =	simm.s32 $0x4C00  }
0xd7: {  	[tilespmem:s24], [sflag:$0x1] =	stream.indirect_vreg.gather [hbm4b:s1+s3], $0x80, v3, vm0, $0xb8;
	[tilespmem:$0x18400] =	vst v63  }
0xd8: {  	s25 =	simm.s32 $0x5400  }
0xd9: {  	[tilespmem:s25], [sflag:$0x1] =	stream.indirect_vreg.gather [hbm4b:s5+s3], $0x80, v3, vm0, $0xb8;
	[tilespmem:$0x18400] =	vst v63  }
0xda: {  	s15 =	simm.s32 $0x5C00  }
0xdb: {  	[tilespmem:s15], [sflag:$0x1] =	stream.indirect_vreg.gather [hbm4b:s6+s3], $0x80, v3, vm0, $0xb8;
	[tilespmem:$0x18400] =	vst v63  }
0xdc: {  	v3 =	vld [tilespmem:$0x120];
	_ =	sdelay $0x4  }
0xdd: {  	v42 =	vshrl.u32 v3, $0x3  }
0xde: {  	v4 =	vmul.u32 $0x30, v42  }
0xdf: {  	v3 =	vand.u32 $0x7, v3  }
0xe0: {  	v3 =	vor.u32 v3, v4  }
0xe1: {  	v4 =	vperm.xlane v3, v0;
	_ =	sdelay $0x1  }
0xe2: {  	v4 =	vadd.s32 v1, v4;
	_ =	sdelay $0x3  }
0xe3: {  	s26 =	simm.s32 $0x6400;
	v3 =	vperm.xlane v3, v2  }
0xe4: {  	[tilespmem:s26], [sflag:$0x1] =	stream.indirect_vreg.gather [hbm4b:s1+s3], $0x80, v4, vm0, $0xb8;
	[tilespmem:$0x18400] =	vst v63  }
0xe5: {  	v3 =	vadd.s32 v1, v3;
	s26 =	simm.s32 $0x6C00  }
0xe6: {  	[tilespmem:s26], [sflag:$0x1] =	stream.indirect_vreg.gather [hbm4b:s5+s3], $0x80, v4, vm0, $0xb8;
	[tilespmem:$0x18400] =	vst v63  }
0xe7: {  	s28 =	simm.s32 $0x7400  }
0xe8: {  	[tilespmem:s28], [sflag:$0x1] =	stream.indirect_vreg.gather [hbm4b:s6+s3], $0x80, v4, vm0, $0xb8;
	[tilespmem:$0x18400] =	vst v63  }
0xe9: {  	s29 =	simm.s32 $0x7C00  }
0xea: {  	[tilespmem:s29], [sflag:$0x1] =	stream.indirect_vreg.gather [hbm4b:s1+s3], $0x80, v3, vm0, $0xb8;
	[tilespmem:$0x18400] =	vst v63  }
0xeb: {  	s30 =	simm.s32 $0x8400  }
0xec: {  	[tilespmem:s30], [sflag:$0x1] =	stream.indirect_vreg.gather [hbm4b:s5+s3], $0x80, v3, vm0, $0xb8;
	[tilespmem:$0x18400] =	vst v63  }
0xed: {  	s31 =	simm.s32 $0x8C00  }
0xee: {  	[tilespmem:s31], [sflag:$0x1] =	stream.indirect_vreg.gather [hbm4b:s6+s3], $0x80, v3, vm0, $0xb8;
	[tilespmem:$0x18400] =	vst v63  }
0xef: {  	v3 =	vld [tilespmem:$0x130];
	_ =	sdelay $0x4  }
0xf0: {  	v43 =	vshrl.u32 v3, $0x3  }
0xf1: {  	v4 =	vmul.u32 $0x30, v43  }
0xf2: {  	v3 =	vand.u32 $0x7, v3  }
0xf3: {  	v3 =	vor.u32 v3, v4  }
0xf4: {  	v4 =	vperm.xlane v3, v0;
	_ =	sdelay $0x1  }
0xf5: {  	v4 =	vadd.s32 v1, v4;
	_ =	sdelay $0x3  }
0xf6: {  	s16 =	simm.s32 $0x9400;
	v3 =	vperm.xlane v3, v2  }
0xf7: {  	[tilespmem:s16], [sflag:$0x1] =	stream.indirect_vreg.gather [hbm4b:s1+s3], $0x80, v4, vm0, $0xb8;
	[tilespmem:$0x18400] =	vst v63  }
0xf8: {  	s31 =	simm.s32 $0x9C00;
	v3 =	vadd.s32 v1, v3  }
0xf9: {  	[tilespmem:s31], [sflag:$0x1] =	stream.indirect_vreg.gather [hbm4b:s5+s3], $0x80, v4, vm0, $0xb8;
	[tilespmem:$0x18400] =	vst v63  }
0xfa: {  	s13 =	simm.s32 $0xA400  }
0xfb: {  	[tilespmem:s13], [sflag:$0x1] =	stream.indirect_vreg.gather [hbm4b:s6+s3], $0x80, v4, vm0, $0xb8;
	[tilespmem:$0x18400] =	vst v63  }
0xfc: {  	s14 =	simm.s32 $0xAC00  }
0xfd: {  	[tilespmem:s14], [sflag:$0x1] =	stream.indirect_vreg.gather [hbm4b:s1+s3], $0x80, v3, vm0, $0xb8;
	[tilespmem:$0x18400] =	vst v63  }
0xfe: {  	s15 =	simm.s32 $0xB400  }
0xff: {  	[tilespmem:s15], [sflag:$0x1] =	stream.indirect_vreg.gather [hbm4b:s5+s3], $0x80, v3, vm0, $0xb8;
	[tilespmem:$0x18400] =	vst v63  }
0x100: {  	s17 =	simm.s32 $0xBC00  }
0x101: {  	[tilespmem:s17], [sflag:$0x1] =	stream.indirect_vreg.gather [hbm4b:s6+s3], $0x80, v3, vm0, $0xb8;
	[tilespmem:$0x18400] =	vst v63  }
0x102: {  	_ =	swait.ge [sflag:s10], $0xC000  }
0x103: {  	[sflag:s10] =	ssyncset.done $0x0  }
0x104: {  	s17 =	rddreg [dreg:$0x5];
	[sflag:s10] =	ssyncadd.s32 $0xFFFF4000  }
0x105: {  	[hbm4b:s17+s3] =	stream.linear.scatter [tilespmem:s4], [sflag:$0x4], $0xC000, $0x38;
	[tilespmem:$0x18400] =	vst v63  }
0x106: {  	_ =	swait.ge [sflag:s11], $0xC000  }
0x107: {  	[sflag:s11] =	ssyncset.done $0x0  }
0x108: {  	[sflag:s11] =	ssyncadd.s32 $0xFFFF4000  }
0x109: {  	v3 =	vld [tilespmem:$0x180];
	_ =	sdelay $0x4  }
0x10a: {  	v44 =	vshrl.u32 v3, $0x3  }
0x10b: {  	v4 =	vmul.u32 $0x30, v44  }
0x10c: {  	v3 =	vand.u32 $0x7, v3  }
0x10d: {  	v3 =	vor.u32 v3, v4  }
0x10e: {  	v4 =	vperm.xlane v3, v0;
	_ =	sdelay $0x1  }
0x10f: {  	v4 =	vadd.s32 v1, v4;
	_ =	sdelay $0x3  }
0x110: {  	v3 =	vperm.xlane v3, v2  }
0x111: {  	[tilespmem:s4], [sflag:$0x2] =	stream.indirect_vreg.gather [hbm4b:s1+s3], $0x80, v4, vm0, $0xb8;
	[tilespmem:$0x18400] =	vst v63  }
0x112: {  	s17 =	simm.s32 $0xCC00;
	v3 =	vadd.s32 v1, v3  }
0x113: {  	[tilespmem:s17], [sflag:$0x2] =	stream.indirect_vreg.gather [hbm4b:s5+s3], $0x80, v4, vm0, $0xb8;
	[tilespmem:$0x18400] =	vst v63  }
0x114: {  	s17 =	simm.s32 $0xD400  }
0x115: {  	[tilespmem:s17], [sflag:$0x2] =	stream.indirect_vreg.gather [hbm4b:s6+s3], $0x80, v4, vm0, $0xb8;
	[tilespmem:$0x18400] =	vst v63  }
0x116: {  	s17 =	simm.s32 $0xDC00  }
0x117: {  	[tilespmem:s17], [sflag:$0x2] =	stream.indirect_vreg.gather [hbm4b:s1+s3], $0x80, v3, vm0, $0xb8;
	[tilespmem:$0x18400] =	vst v63  }
0x118: {  	s17 =	simm.s32 $0xE400  }
0x119: {  	[tilespmem:s17], [sflag:$0x2] =	stream.indirect_vreg.gather [hbm4b:s5+s3], $0x80, v3, vm0, $0xb8;
	[tilespmem:$0x18400] =	vst v63  }
0x11a: {  	s19 =	simm.s32 $0xEC00  }
0x11b: {  	[tilespmem:s19], [sflag:$0x2] =	stream.indirect_vreg.gather [hbm4b:s6+s3], $0x80, v3, vm0, $0xb8;
	[tilespmem:$0x18400] =	vst v63  }
0x11c: {  	v3 =	vld [tilespmem:$0x190];
	_ =	sdelay $0x4  }
0x11d: {  	v45 =	vshrl.u32 v3, $0x3  }
0x11e: {  	v4 =	vmul.u32 $0x30, v45  }
0x11f: {  	v3 =	vand.u32 $0x7, v3  }
0x120: {  	v3 =	vor.u32 v3, v4  }
0x121: {  	v4 =	vperm.xlane v3, v0;
	_ =	sdelay $0x1  }
0x122: {  	v4 =	vadd.s32 v1, v4;
	_ =	sdelay $0x3  }
0x123: {  	s17 =	simm.s32 $0xF400;
	v3 =	vperm.xlane v3, v2  }
0x124: {  	[tilespmem:s17], [sflag:$0x2] =	stream.indirect_vreg.gather [hbm4b:s1+s3], $0x80, v4, vm0, $0xb8;
	[tilespmem:$0x18400] =	vst v63  }
0x125: {  	s19 =	simm.s32 $0xFC00;
	v3 =	vadd.s32 v1, v3  }
0x126: {  	[tilespmem:s19], [sflag:$0x2] =	stream.indirect_vreg.gather [hbm4b:s5+s3], $0x80, v4, vm0, $0xb8;
	[tilespmem:$0x18400] =	vst v63  }
0x127: {  	s17 =	simm.s32 $0x10400  }
0x128: {  	[tilespmem:s17], [sflag:$0x2] =	stream.indirect_vreg.gather [hbm4b:s6+s3], $0x80, v4, vm0, $0xb8;
	[tilespmem:$0x18400] =	vst v63  }
0x129: {  	s19 =	simm.s32 $0x10C00  }
0x12a: {  	[tilespmem:s19], [sflag:$0x2] =	stream.indirect_vreg.gather [hbm4b:s1+s3], $0x80, v3, vm0, $0xb8;
	[tilespmem:$0x18400] =	vst v63  }
0x12b: {  	s17 =	simm.s32 $0x11400  }
0x12c: {  	[tilespmem:s17], [sflag:$0x2] =	stream.indirect_vreg.gather [hbm4b:s5+s3], $0x80, v3, vm0, $0xb8;
	[tilespmem:$0x18400] =	vst v63  }
0x12d: {  	s19 =	simm.s32 $0x11C00  }
0x12e: {  	[tilespmem:s19], [sflag:$0x2] =	stream.indirect_vreg.gather [hbm4b:s6+s3], $0x80, v3, vm0, $0xb8;
	[tilespmem:$0x18400] =	vst v63  }
0x12f: {  	v3 =	vld [tilespmem:$0x1A0];
	_ =	sdelay $0x4  }
0x130: {  	v46 =	vshrl.u32 v3, $0x3  }
0x131: {  	v4 =	vmul.u32 $0x30, v46  }
0x132: {  	v3 =	vand.u32 $0x7, v3  }
0x133: {  	v3 =	vor.u32 v3, v4  }
0x134: {  	v4 =	vperm.xlane v3, v0;
	_ =	sdelay $0x1  }
0x135: {  	v4 =	vadd.s32 v1, v4;
	_ =	sdelay $0x3  }
0x136: {  	s17 =	simm.s32 $0x12400;
	v3 =	vperm.xlane v3, v2  }
0x137: {  	[tilespmem:s17], [sflag:$0x2] =	stream.indirect_vreg.gather [hbm4b:s1+s3], $0x80, v4, vm0, $0xb8;
	[tilespmem:$0x18400] =	vst v63  }
0x138: {  	s19 =	simm.s32 $0x12C00;
	v3 =	vadd.s32 v1, v3  }
0x139: {  	[tilespmem:s19], [sflag:$0x2] =	stream.indirect_vreg.gather [hbm4b:s5+s3], $0x80, v4, vm0, $0xb8;
	[tilespmem:$0x18400] =	vst v63  }
0x13a: {  	s17 =	simm.s32 $0x13400  }
0x13b: {  	[tilespmem:s17], [sflag:$0x2] =	stream.indirect_vreg.gather [hbm4b:s6+s3], $0x80, v4, vm0, $0xb8;
	[tilespmem:$0x18400] =	vst v63  }
0x13c: {  	s19 =	simm.s32 $0x13C00  }
0x13d: {  	[tilespmem:s19], [sflag:$0x2] =	stream.indirect_vreg.gather [hbm4b:s1+s3], $0x80, v3, vm0, $0xb8;
	[tilespmem:$0x18400] =	vst v63  }
0x13e: {  	s17 =	simm.s32 $0x14400  }
0x13f: {  	[tilespmem:s17], [sflag:$0x2] =	stream.indirect_vreg.gather [hbm4b:s5+s3], $0x80, v3, vm0, $0xb8;
	[tilespmem:$0x18400] =	vst v63  }
0x140: {  	s19 =	simm.s32 $0x14C00  }
0x141: {  	[tilespmem:s19], [sflag:$0x2] =	stream.indirect_vreg.gather [hbm4b:s6+s3], $0x80, v3, vm0, $0xb8;
	[tilespmem:$0x18400] =	vst v63  }
0x142: {  	v3 =	vld [tilespmem:$0x1B0];
	_ =	sdelay $0x4  }
0x143: {  	v47 =	vshrl.u32 v3, $0x3  }
0x144: {  	v4 =	vmul.u32 $0x30, v47  }
0x145: {  	v3 =	vand.u32 $0x7, v3  }
0x146: {  	v3 =	vor.u32 v3, v4  }
0x147: {  	v4 =	vperm.xlane v3, v0;
	_ =	sdelay $0x1  }
0x148: {  	v4 =	vadd.s32 v1, v4;
	_ =	sdelay $0x3  }
0x149: {  	s17 =	simm.s32 $0x15400;
	v3 =	vperm.xlane v3, v2  }
0x14a: {  	[tilespmem:s17], [sflag:$0x2] =	stream.indirect_vreg.gather [hbm4b:s1+s3], $0x80, v4, vm0, $0xb8;
	[tilespmem:$0x18400] =	vst v63  }
0x14b: {  	s19 =	simm.s32 $0x15C00;
	v3 =	vadd.s32 v1, v3  }
0x14c: {  	[tilespmem:s19], [sflag:$0x2] =	stream.indirect_vreg.gather [hbm4b:s5+s3], $0x80, v4, vm0, $0xb8;
	[tilespmem:$0x18400] =	vst v63  }
0x14d: {  	s17 =	simm.s32 $0x16400  }
0x14e: {  	[tilespmem:s17], [sflag:$0x2] =	stream.indirect_vreg.gather [hbm4b:s6+s3], $0x80, v4, vm0, $0xb8;
	[tilespmem:$0x18400] =	vst v63  }
0x14f: {  	s19 =	simm.s32 $0x16C00  }
0x150: {  	[tilespmem:s19], [sflag:$0x2] =	stream.indirect_vreg.gather [hbm4b:s1+s3], $0x80, v3, vm0, $0xb8;
	[tilespmem:$0x18400] =	vst v63  }
0x151: {  	s17 =	simm.s32 $0x17400  }
0x152: {  	[tilespmem:s17], [sflag:$0x2] =	stream.indirect_vreg.gather [hbm4b:s5+s3], $0x80, v3, vm0, $0xb8;
	[tilespmem:$0x18400] =	vst v63  }
0x153: {  	s19 =	simm.s32 $0x17C00  }
0x154: {  	[tilespmem:s19], [sflag:$0x2] =	stream.indirect_vreg.gather [hbm4b:s6+s3], $0x80, v3, vm0, $0xb8;
	[tilespmem:$0x18400] =	vst v63  }
0x155: {  	_ =	swait.ge [sflag:s0], $0xC000  }
0x156: {  	[sflag:s0] =	ssyncset.done $0x0  }
0x157: {  	s17 =	rddreg [dreg:$0x6];
	[sflag:s0] =	ssyncadd.s32 $0xFFFF4000  }
0x158: {  	[hbm4b:s17+s3] =	stream.linear.scatter [tilespmem:s18], [sflag:$0x3], $0xC000, $0x38;
	[tilespmem:$0x18400] =	vst v63  }
0x159: {  	_ =	swait.ge [sflag:s8], $0xC000  }
0x15a: {  	[sflag:s8] =	ssyncset.done $0x0  }
0x15b: {  	[sflag:s8] =	ssyncadd.s32 $0xFFFF4000  }
0x15c: {  	v3 =	vld [tilespmem:$0x200];
	_ =	sdelay $0x4  }
0x15d: {  	v48 =	vshrl.u32 v3, $0x3  }
0x15e: {  	v4 =	vmul.u32 $0x30, v48  }
0x15f: {  	v3 =	vand.u32 $0x7, v3  }
0x160: {  	v3 =	vor.u32 v3, v4  }
0x161: {  	v4 =	vperm.xlane v3, v0;
	_ =	sdelay $0x1  }
0x162: {  	v4 =	vadd.s32 v1, v4;
	_ =	sdelay $0x3  }
0x163: {  	v3 =	vperm.xlane v3, v2  }
0x164: {  	[tilespmem:s18], [sflag:$0x1] =	stream.indirect_vreg.gather [hbm4b:s1+s3], $0x80, v4, vm0, $0xb8;
	[tilespmem:$0x18400] =	vst v63  }
0x165: {  	v3 =	vadd.s32 v1, v3  }
0x166: {  	[tilespmem:s2], [sflag:$0x1] =	stream.indirect_vreg.gather [hbm4b:s5+s3], $0x80, v4, vm0, $0xb8;
	[tilespmem:$0x18400] =	vst v63  }
0x167: {  	_ = 	snop  }
0x168: {  	[tilespmem:s9], [sflag:$0x1] =	stream.indirect_vreg.gather [hbm4b:s6+s3], $0x80, v4, vm0, $0xb8;
	[tilespmem:$0x18400] =	vst v63  }
0x169: {  	_ = 	snop  }
0x16a: {  	[tilespmem:s20], [sflag:$0x1] =	stream.indirect_vreg.gather [hbm4b:s1+s3], $0x80, v3, vm0, $0xb8;
	[tilespmem:$0x18400] =	vst v63  }
0x16b: {  	_ = 	snop  }
0x16c: {  	[tilespmem:s21], [sflag:$0x1] =	stream.indirect_vreg.gather [hbm4b:s5+s3], $0x80, v3, vm0, $0xb8;
	[tilespmem:$0x18400] =	vst v63  }
0x16d: {  	s19 =	simm.s32 $0x2C00  }
0x16e: {  	[tilespmem:s19], [sflag:$0x1] =	stream.indirect_vreg.gather [hbm4b:s6+s3], $0x80, v3, vm0, $0xb8;
	[tilespmem:$0x18400] =	vst v63  }
0x16f: {  	v3 =	vld [tilespmem:$0x210];
	_ =	sdelay $0x4  }
0x170: {  	v49 =	vshrl.u32 v3, $0x3  }
0x171: {  	v4 =	vmul.u32 $0x30, v49  }
0x172: {  	v3 =	vand.u32 $0x7, v3  }
0x173: {  	v3 =	vor.u32 v3, v4  }
0x174: {  	v4 =	vperm.xlane v3, v0;
	_ =	sdelay $0x1  }
0x175: {  	v4 =	vadd.s32 v1, v4;
	_ =	sdelay $0x3  }
0x176: {  	s21 =	simm.s32 $0x3400;
	v3 =	vperm.xlane v3, v2  }
0x177: {  	[tilespmem:s21], [sflag:$0x1] =	stream.indirect_vreg.gather [hbm4b:s1+s3], $0x80, v4, vm0, $0xb8;
	[tilespmem:$0x18400] =	vst v63  }
0x178: {  	v3 =	vadd.s32 v1, v3  }
0x179: {  	[tilespmem:s22], [sflag:$0x1] =	stream.indirect_vreg.gather [hbm4b:s5+s3], $0x80, v4, vm0, $0xb8;
	[tilespmem:$0x18400] =	vst v63  }
0x17a: {  	_ = 	snop  }
0x17b: {  	[tilespmem:s23], [sflag:$0x1] =	stream.indirect_vreg.gather [hbm4b:s6+s3], $0x80, v4, vm0, $0xb8;
	[tilespmem:$0x18400] =	vst v63  }
0x17c: {  	_ = 	snop  }
0x17d: {  	[tilespmem:s24], [sflag:$0x1] =	stream.indirect_vreg.gather [hbm4b:s1+s3], $0x80, v3, vm0, $0xb8;
	[tilespmem:$0x18400] =	vst v63  }
0x17e: {  	_ = 	snop  }
0x17f: {  	[tilespmem:s25], [sflag:$0x1] =	stream.indirect_vreg.gather [hbm4b:s5+s3], $0x80, v3, vm0, $0xb8;
	[tilespmem:$0x18400] =	vst v63  }
0x180: {  	s19 =	simm.s32 $0x5C00  }
0x181: {  	[tilespmem:s19], [sflag:$0x1] =	stream.indirect_vreg.gather [hbm4b:s6+s3], $0x80, v3, vm0, $0xb8;
	[tilespmem:$0x18400] =	vst v63  }
0x182: {  	v3 =	vld [tilespmem:$0x220];
	_ =	sdelay $0x4  }
0x183: {  	v50 =	vshrl.u32 v3, $0x3  }
0x184: {  	v4 =	vmul.u32 $0x30, v50  }
0x185: {  	v3 =	vand.u32 $0x7, v3  }
0x186: {  	v3 =	vor.u32 v3, v4  }
0x187: {  	v4 =	vperm.xlane v3, v0;
	_ =	sdelay $0x1  }
0x188: {  	v4 =	vadd.s32 v1, v4;
	_ =	sdelay $0x3  }
0x189: {  	s25 =	simm.s32 $0x6400;
	v3 =	vperm.xlane v3, v2  }
0x18a: {  	[tilespmem:s25], [sflag:$0x1] =	stream.indirect_vreg.gather [hbm4b:s1+s3], $0x80, v4, vm0, $0xb8;
	[tilespmem:$0x18400] =	vst v63  }
0x18b: {  	v3 =	vadd.s32 v1, v3  }
0x18c: {  	[tilespmem:s26], [sflag:$0x1] =	stream.indirect_vreg.gather [hbm4b:s5+s3], $0x80, v4, vm0, $0xb8;
	[tilespmem:$0x18400] =	vst v63  }
0x18d: {  	_ = 	snop  }
0x18e: {  	[tilespmem:s28], [sflag:$0x1] =	stream.indirect_vreg.gather [hbm4b:s6+s3], $0x80, v4, vm0, $0xb8;
	[tilespmem:$0x18400] =	vst v63  }
0x18f: {  	_ = 	snop  }
0x190: {  	[tilespmem:s29], [sflag:$0x1] =	stream.indirect_vreg.gather [hbm4b:s1+s3], $0x80, v3, vm0, $0xb8;
	[tilespmem:$0x18400] =	vst v63  }
0x191: {  	_ = 	snop  }
0x192: {  	[tilespmem:s30], [sflag:$0x1] =	stream.indirect_vreg.gather [hbm4b:s5+s3], $0x80, v3, vm0, $0xb8;
	[tilespmem:$0x18400] =	vst v63  }
0x193: {  	s30 =	simm.s32 $0x8C00  }
0x194: {  	[tilespmem:s30], [sflag:$0x1] =	stream.indirect_vreg.gather [hbm4b:s6+s3], $0x80, v3, vm0, $0xb8;
	[tilespmem:$0x18400] =	vst v63  }
0x195: {  	v3 =	vld [tilespmem:$0x230];
	_ =	sdelay $0x4  }
0x196: {  	v51 =	vshrl.u32 v3, $0x3  }
0x197: {  	v4 =	vmul.u32 $0x30, v51  }
0x198: {  	v3 =	vand.u32 $0x7, v3  }
0x199: {  	v3 =	vor.u32 v3, v4  }
0x19a: {  	v4 =	vperm.xlane v3, v0;
	_ =	sdelay $0x1  }
0x19b: {  	v4 =	vadd.s32 v1, v4;
	_ =	sdelay $0x3  }
0x19c: {  	v3 =	vperm.xlane v3, v2  }
0x19d: {  	[tilespmem:s16], [sflag:$0x1] =	stream.indirect_vreg.gather [hbm4b:s1+s3], $0x80, v4, vm0, $0xb8;
	[tilespmem:$0x18400] =	vst v63  }
0x19e: {  	v3 =	vadd.s32 v1, v3  }
0x19f: {  	[tilespmem:s31], [sflag:$0x1] =	stream.indirect_vreg.gather [hbm4b:s5+s3], $0x80, v4, vm0, $0xb8;
	[tilespmem:$0x18400] =	vst v63  }
0x1a0: {  	_ = 	snop  }
0x1a1: {  	[tilespmem:s13], [sflag:$0x1] =	stream.indirect_vreg.gather [hbm4b:s6+s3], $0x80, v4, vm0, $0xb8;
	[tilespmem:$0x18400] =	vst v63  }
0x1a2: {  	_ = 	snop  }
0x1a3: {  	[tilespmem:s14], [sflag:$0x1] =	stream.indirect_vreg.gather [hbm4b:s1+s3], $0x80, v3, vm0, $0xb8;
	[tilespmem:$0x18400] =	vst v63  }
0x1a4: {  	_ = 	snop  }
0x1a5: {  	[tilespmem:s15], [sflag:$0x1] =	stream.indirect_vreg.gather [hbm4b:s5+s3], $0x80, v3, vm0, $0xb8;
	[tilespmem:$0x18400] =	vst v63  }
0x1a6: {  	s31 =	simm.s32 $0xBC00  }
0x1a7: {  	[tilespmem:s31], [sflag:$0x1] =	stream.indirect_vreg.gather [hbm4b:s6+s3], $0x80, v3, vm0, $0xb8;
	[tilespmem:$0x18400] =	vst v63  }
0x1a8: {  	_ =	swait.ge [sflag:s10], $0xC000  }
0x1a9: {  	[sflag:s10] =	ssyncset.done $0x0  }
0x1aa: {  	s19 =	rddreg [dreg:$0x7];
	[sflag:s10] =	ssyncadd.s32 $0xFFFF4000  }
0x1ab: {  	[hbm4b:s19+s3] =	stream.linear.scatter [tilespmem:s4], [sflag:$0x4], $0xC000, $0x38;
	[tilespmem:$0x18400] =	vst v63  }
0x1ac: {  	_ =	swait.ge [sflag:s11], $0xC000  }
0x1ad: {  	[sflag:s11] =	ssyncset.done $0x0  }
0x1ae: {  	[sflag:s11] =	ssyncadd.s32 $0xFFFF4000  }
0x1af: {  	v3 =	vld [tilespmem:$0x280];
	_ =	sdelay $0x4  }
0x1b0: {  	v52 =	vshrl.u32 v3, $0x3  }
0x1b1: {  	v4 =	vmul.u32 $0x30, v52  }
0x1b2: {  	v3 =	vand.u32 $0x7, v3  }
0x1b3: {  	v3 =	vor.u32 v3, v4  }
0x1b4: {  	v4 =	vperm.xlane v3, v0;
	_ =	sdelay $0x1  }
0x1b5: {  	v4 =	vadd.s32 v1, v4;
	_ =	sdelay $0x3  }
0x1b6: {  	v3 =	vperm.xlane v3, v2  }
0x1b7: {  	[tilespmem:s4], [sflag:$0x2] =	stream.indirect_vreg.gather [hbm4b:s1+s3], $0x80, v4, vm0, $0xb8;
	[tilespmem:$0x18400] =	vst v63  }
0x1b8: {  	s31 =	simm.s32 $0xCC00;
	v3 =	vadd.s32 v1, v3  }
0x1b9: {  	[tilespmem:s31], [sflag:$0x2] =	stream.indirect_vreg.gather [hbm4b:s5+s3], $0x80, v4, vm0, $0xb8;
	[tilespmem:$0x18400] =	vst v63  }
0x1ba: {  	s19 =	simm.s32 $0xD400  }
0x1bb: {  	[tilespmem:s19], [sflag:$0x2] =	stream.indirect_vreg.gather [hbm4b:s6+s3], $0x80, v4, vm0, $0xb8;
	[tilespmem:$0x18400] =	vst v63  }
0x1bc: {  	s12 =	simm.s32 $0xDC00  }
0x1bd: {  	[tilespmem:s12], [sflag:$0x2] =	stream.indirect_vreg.gather [hbm4b:s1+s3], $0x80, v3, vm0, $0xb8;
	[tilespmem:$0x18400] =	vst v63  }
0x1be: {  	s12 =	simm.s32 $0xE400  }
0x1bf: {  	[tilespmem:s12], [sflag:$0x2] =	stream.indirect_vreg.gather [hbm4b:s5+s3], $0x80, v3, vm0, $0xb8;
	[tilespmem:$0x18400] =	vst v63  }
0x1c0: {  	s12 =	simm.s32 $0xEC00  }
0x1c1: {  	[tilespmem:s12], [sflag:$0x2] =	stream.indirect_vreg.gather [hbm4b:s6+s3], $0x80, v3, vm0, $0xb8;
	[tilespmem:$0x18400] =	vst v63  }
0x1c2: {  	v3 =	vld [tilespmem:$0x290];
	_ =	sdelay $0x4  }
0x1c3: {  	v53 =	vshrl.u32 v3, $0x3  }
0x1c4: {  	v4 =	vmul.u32 $0x30, v53  }
0x1c5: {  	v3 =	vand.u32 $0x7, v3  }
0x1c6: {  	v3 =	vor.u32 v3, v4  }
0x1c7: {  	v4 =	vperm.xlane v3, v0;
	_ =	sdelay $0x1  }
0x1c8: {  	v4 =	vadd.s32 v1, v4;
	_ =	sdelay $0x3  }
0x1c9: {  	s12 =	simm.s32 $0xF400;
	v3 =	vperm.xlane v3, v2  }
0x1ca: {  	[tilespmem:s12], [sflag:$0x2] =	stream.indirect_vreg.gather [hbm4b:s1+s3], $0x80, v4, vm0, $0xb8;
	[tilespmem:$0x18400] =	vst v63  }
0x1cb: {  	v3 =	vadd.s32 v1, v3;
	s12 =	simm.s32 $0xFC00  }
0x1cc: {  	[tilespmem:s12], [sflag:$0x2] =	stream.indirect_vreg.gather [hbm4b:s5+s3], $0x80, v4, vm0, $0xb8;
	[tilespmem:$0x18400] =	vst v63  }
0x1cd: {  	s12 =	simm.s32 $0x10400  }
0x1ce: {  	[tilespmem:s12], [sflag:$0x2] =	stream.indirect_vreg.gather [hbm4b:s6+s3], $0x80, v4, vm0, $0xb8;
	[tilespmem:$0x18400] =	vst v63  }
0x1cf: {  	s12 =	simm.s32 $0x10C00  }
0x1d0: {  	[tilespmem:s12], [sflag:$0x2] =	stream.indirect_vreg.gather [hbm4b:s1+s3], $0x80, v3, vm0, $0xb8;
	[tilespmem:$0x18400] =	vst v63  }
0x1d1: {  	s12 =	simm.s32 $0x11400  }
0x1d2: {  	[tilespmem:s12], [sflag:$0x2] =	stream.indirect_vreg.gather [hbm4b:s5+s3], $0x80, v3, vm0, $0xb8;
	[tilespmem:$0x18400] =	vst v63  }
0x1d3: {  	s12 =	simm.s32 $0x11C00  }
0x1d4: {  	[tilespmem:s12], [sflag:$0x2] =	stream.indirect_vreg.gather [hbm4b:s6+s3], $0x80, v3, vm0, $0xb8;
	[tilespmem:$0x18400] =	vst v63  }
0x1d5: {  	v3 =	vld [tilespmem:$0x2A0];
	_ =	sdelay $0x4  }
0x1d6: {  	v54 =	vshrl.u32 v3, $0x3  }
0x1d7: {  	v4 =	vmul.u32 $0x30, v54  }
0x1d8: {  	v3 =	vand.u32 $0x7, v3  }
0x1d9: {  	v3 =	vor.u32 v3, v4  }
0x1da: {  	v4 =	vperm.xlane v3, v0;
	_ =	sdelay $0x1  }
0x1db: {  	v4 =	vadd.s32 v1, v4;
	_ =	sdelay $0x3  }
0x1dc: {  	s12 =	simm.s32 $0x12400;
	v3 =	vperm.xlane v3, v2  }
0x1dd: {  	[tilespmem:s12], [sflag:$0x2] =	stream.indirect_vreg.gather [hbm4b:s1+s3], $0x80, v4, vm0, $0xb8;
	[tilespmem:$0x18400] =	vst v63  }
0x1de: {  	v3 =	vadd.s32 v1, v3;
	s12 =	simm.s32 $0x12C00  }
0x1df: {  	[tilespmem:s12], [sflag:$0x2] =	stream.indirect_vreg.gather [hbm4b:s5+s3], $0x80, v4, vm0, $0xb8;
	[tilespmem:$0x18400] =	vst v63  }
0x1e0: {  	s12 =	simm.s32 $0x13400  }
0x1e1: {  	[tilespmem:s12], [sflag:$0x2] =	stream.indirect_vreg.gather [hbm4b:s6+s3], $0x80, v4, vm0, $0xb8;
	[tilespmem:$0x18400] =	vst v63  }
0x1e2: {  	s12 =	simm.s32 $0x13C00  }
0x1e3: {  	[tilespmem:s12], [sflag:$0x2] =	stream.indirect_vreg.gather [hbm4b:s1+s3], $0x80, v3, vm0, $0xb8;
	[tilespmem:$0x18400] =	vst v63  }
0x1e4: {  	s12 =	simm.s32 $0x14400  }
0x1e5: {  	[tilespmem:s12], [sflag:$0x2] =	stream.indirect_vreg.gather [hbm4b:s5+s3], $0x80, v3, vm0, $0xb8;
	[tilespmem:$0x18400] =	vst v63  }
0x1e6: {  	s12 =	simm.s32 $0x14C00  }
0x1e7: {  	[tilespmem:s12], [sflag:$0x2] =	stream.indirect_vreg.gather [hbm4b:s6+s3], $0x80, v3, vm0, $0xb8;
	[tilespmem:$0x18400] =	vst v63  }
0x1e8: {  	v3 =	vld [tilespmem:$0x2B0];
	_ =	sdelay $0x4  }
0x1e9: {  	v55 =	vshrl.u32 v3, $0x3  }
0x1ea: {  	v4 =	vmul.u32 $0x30, v55  }
0x1eb: {  	v3 =	vand.u32 $0x7, v3  }
0x1ec: {  	v3 =	vor.u32 v3, v4  }
0x1ed: {  	v4 =	vperm.xlane v3, v0;
	_ =	sdelay $0x1  }
0x1ee: {  	v4 =	vadd.s32 v1, v4;
	_ =	sdelay $0x3  }
0x1ef: {  	s12 =	simm.s32 $0x15400;
	v3 =	vperm.xlane v3, v2  }
0x1f0: {  	[tilespmem:s12], [sflag:$0x2] =	stream.indirect_vreg.gather [hbm4b:s1+s3], $0x80, v4, vm0, $0xb8;
	[tilespmem:$0x18400] =	vst v63  }
0x1f1: {  	v3 =	vadd.s32 v1, v3;
	s12 =	simm.s32 $0x15C00  }
0x1f2: {  	[tilespmem:s12], [sflag:$0x2] =	stream.indirect_vreg.gather [hbm4b:s5+s3], $0x80, v4, vm0, $0xb8;
	[tilespmem:$0x18400] =	vst v63  }
0x1f3: {  	s12 =	simm.s32 $0x16400  }
0x1f4: {  	[tilespmem:s12], [sflag:$0x2] =	stream.indirect_vreg.gather [hbm4b:s6+s3], $0x80, v4, vm0, $0xb8;
	[tilespmem:$0x18400] =	vst v63  }
0x1f5: {  	s12 =	simm.s32 $0x16C00  }
0x1f6: {  	[tilespmem:s12], [sflag:$0x2] =	stream.indirect_vreg.gather [hbm4b:s1+s3], $0x80, v3, vm0, $0xb8;
	[tilespmem:$0x18400] =	vst v63  }
0x1f7: {  	s12 =	simm.s32 $0x17400  }
0x1f8: {  	[tilespmem:s12], [sflag:$0x2] =	stream.indirect_vreg.gather [hbm4b:s5+s3], $0x80, v3, vm0, $0xb8;
	[tilespmem:$0x18400] =	vst v63  }
0x1f9: {  	s12 =	simm.s32 $0x17C00  }
0x1fa: {  	[tilespmem:s12], [sflag:$0x2] =	stream.indirect_vreg.gather [hbm4b:s6+s3], $0x80, v3, vm0, $0xb8;
	[tilespmem:$0x18400] =	vst v63  }
0x1fb: {  	_ =	swait.ge [sflag:s0], $0xC000  }
0x1fc: {  	[sflag:s0] =	ssyncset.done $0x0  }
0x1fd: {  	s12 =	rddreg [dreg:$0x8];
	[sflag:s0] =	ssyncadd.s32 $0xFFFF4000  }
0x1fe: {  	[hbm4b:s12+s3] =	stream.linear.scatter [tilespmem:s18], [sflag:$0x3], $0xC000, $0x38;
	[tilespmem:$0x18400] =	vst v63  }
0x1ff: {  	_ =	swait.ge [sflag:s8], $0xC000  }
0x200: {  	[sflag:s8] =	ssyncset.done $0x0  }
0x201: {  	[sflag:s8] =	ssyncadd.s32 $0xFFFF4000  }
0x202: {  	v3 =	vld [tilespmem:$0x300];
	_ =	sdelay $0x4  }
0x203: {  	v56 =	vshrl.u32 v3, $0x3  }
0x204: {  	v4 =	vmul.u32 $0x30, v56  }
0x205: {  	v3 =	vand.u32 $0x7, v3  }
0x206: {  	v3 =	vor.u32 v3, v4  }
0x207: {  	v4 =	vperm.xlane v3, v0;
	_ =	sdelay $0x1  }
0x208: {  	v4 =	vadd.s32 v1, v4;
	_ =	sdelay $0x3  }
0x209: {  	v3 =	vperm.xlane v3, v2  }
0x20a: {  	[tilespmem:s18], [sflag:$0x1] =	stream.indirect_vreg.gather [hbm4b:s1+s3], $0x80, v4, vm0, $0xb8;
	[tilespmem:$0x18400] =	vst v63  }
0x20b: {  	s2 =	simm.s32 $0xC00;
	v3 =	vadd.s32 v1, v3  }
0x20c: {  	[tilespmem:s2], [sflag:$0x1] =	stream.indirect_vreg.gather [hbm4b:s5+s3], $0x80, v4, vm0, $0xb8;
	[tilespmem:$0x18400] =	vst v63  }
0x20d: {  	s9 =	simm.s32 $0x1400  }
0x20e: {  	[tilespmem:s9], [sflag:$0x1] =	stream.indirect_vreg.gather [hbm4b:s6+s3], $0x80, v4, vm0, $0xb8;
	[tilespmem:$0x18400] =	vst v63  }
0x20f: {  	s17 =	simm.s32 $0x1C00  }
0x210: {  	[tilespmem:s17], [sflag:$0x1] =	stream.indirect_vreg.gather [hbm4b:s1+s3], $0x80, v3, vm0, $0xb8;
	[tilespmem:$0x18400] =	vst v63  }
0x211: {  	s20 =	simm.s32 $0x2400  }
0x212: {  	[tilespmem:s20], [sflag:$0x1] =	stream.indirect_vreg.gather [hbm4b:s5+s3], $0x80, v3, vm0, $0xb8;
	[tilespmem:$0x18400] =	vst v63  }
0x213: {  	s17 =	simm.s32 $0x2C00  }
0x214: {  	[tilespmem:s17], [sflag:$0x1] =	stream.indirect_vreg.gather [hbm4b:s6+s3], $0x80, v3, vm0, $0xb8;
	[tilespmem:$0x18400] =	vst v63  }
0x215: {  	v3 =	vld [tilespmem:$0x310];
	_ =	sdelay $0x4  }
0x216: {  	v57 =	vshrl.u32 v3, $0x3  }
0x217: {  	v4 =	vmul.u32 $0x30, v57  }
0x218: {  	v3 =	vand.u32 $0x7, v3  }
0x219: {  	v3 =	vor.u32 v3, v4  }
0x21a: {  	v4 =	vperm.xlane v3, v0;
	_ =	sdelay $0x1  }
0x21b: {  	v4 =	vadd.s32 v1, v4;
	_ =	sdelay $0x3  }
0x21c: {  	s20 =	simm.s32 $0x3400;
	v3 =	vperm.xlane v3, v2  }
0x21d: {  	[tilespmem:s20], [sflag:$0x1] =	stream.indirect_vreg.gather [hbm4b:s1+s3], $0x80, v4, vm0, $0xb8;
	[tilespmem:$0x18400] =	vst v63  }
0x21e: {  	s21 =	simm.s32 $0x3C00;
	v3 =	vadd.s32 v1, v3  }
0x21f: {  	[tilespmem:s21], [sflag:$0x1] =	stream.indirect_vreg.gather [hbm4b:s5+s3], $0x80, v4, vm0, $0xb8;
	[tilespmem:$0x18400] =	vst v63  }
0x220: {  	s22 =	simm.s32 $0x4400  }
0x221: {  	[tilespmem:s22], [sflag:$0x1] =	stream.indirect_vreg.gather [hbm4b:s6+s3], $0x80, v4, vm0, $0xb8;
	[tilespmem:$0x18400] =	vst v63  }
0x222: {  	s23 =	simm.s32 $0x4C00  }
0x223: {  	[tilespmem:s23], [sflag:$0x1] =	stream.indirect_vreg.gather [hbm4b:s1+s3], $0x80, v3, vm0, $0xb8;
	[tilespmem:$0x18400] =	vst v63  }
0x224: {  	s24 =	simm.s32 $0x5400  }
0x225: {  	[tilespmem:s24], [sflag:$0x1] =	stream.indirect_vreg.gather [hbm4b:s5+s3], $0x80, v3, vm0, $0xb8;
	[tilespmem:$0x18400] =	vst v63  }
0x226: {  	s22 =	simm.s32 $0x5C00  }
0x227: {  	[tilespmem:s22], [sflag:$0x1] =	stream.indirect_vreg.gather [hbm4b:s6+s3], $0x80, v3, vm0, $0xb8;
	[tilespmem:$0x18400] =	vst v63  }
0x228: {  	v3 =	vld [tilespmem:$0x320];
	_ =	sdelay $0x4  }
0x229: {  	v58 =	vshrl.u32 v3, $0x3  }
0x22a: {  	v4 =	vmul.u32 $0x30, v58  }
0x22b: {  	v3 =	vand.u32 $0x7, v3  }
0x22c: {  	v3 =	vor.u32 v3, v4  }
0x22d: {  	v4 =	vperm.xlane v3, v0;
	_ =	sdelay $0x1  }
0x22e: {  	v4 =	vadd.s32 v1, v4;
	_ =	sdelay $0x3  }
0x22f: {  	s23 =	simm.s32 $0x6400;
	v3 =	vperm.xlane v3, v2  }
0x230: {  	[tilespmem:s23], [sflag:$0x1] =	stream.indirect_vreg.gather [hbm4b:s1+s3], $0x80, v4, vm0, $0xb8;
	[tilespmem:$0x18400] =	vst v63  }
0x231: {  	s25 =	simm.s32 $0x6C00;
	v3 =	vadd.s32 v1, v3  }
0x232: {  	[tilespmem:s25], [sflag:$0x1] =	stream.indirect_vreg.gather [hbm4b:s5+s3], $0x80, v4, vm0, $0xb8;
	[tilespmem:$0x18400] =	vst v63  }
0x233: {  	s26 =	simm.s32 $0x7400  }
0x234: {  	[tilespmem:s26], [sflag:$0x1] =	stream.indirect_vreg.gather [hbm4b:s6+s3], $0x80, v4, vm0, $0xb8;
	[tilespmem:$0x18400] =	vst v63  }
0x235: {  	s28 =	simm.s32 $0x7C00  }
0x236: {  	[tilespmem:s28], [sflag:$0x1] =	stream.indirect_vreg.gather [hbm4b:s1+s3], $0x80, v3, vm0, $0xb8;
	[tilespmem:$0x18400] =	vst v63  }
0x237: {  	s29 =	simm.s32 $0x8400  }
0x238: {  	[tilespmem:s29], [sflag:$0x1] =	stream.indirect_vreg.gather [hbm4b:s5+s3], $0x80, v3, vm0, $0xb8;
	[tilespmem:$0x18400] =	vst v63  }
0x239: {  	s24 =	simm.s32 $0x8C00  }
0x23a: {  	[tilespmem:s24], [sflag:$0x1] =	stream.indirect_vreg.gather [hbm4b:s6+s3], $0x80, v3, vm0, $0xb8;
	[tilespmem:$0x18400] =	vst v63  }
0x23b: {  	v3 =	vld [tilespmem:$0x330];
	_ =	sdelay $0x4  }
0x23c: {  	v59 =	vshrl.u32 v3, $0x3  }
0x23d: {  	v4 =	vmul.u32 $0x30, v59  }
0x23e: {  	v3 =	vand.u32 $0x7, v3  }
0x23f: {  	v3 =	vor.u32 v3, v4  }
0x240: {  	v4 =	vperm.xlane v3, v0;
	_ =	sdelay $0x1  }
0x241: {  	v4 =	vadd.s32 v1, v4;
	_ =	sdelay $0x3  }
0x242: {  	s16 =	simm.s32 $0x9400;
	v3 =	vperm.xlane v3, v2  }
0x243: {  	[tilespmem:s16], [sflag:$0x1] =	stream.indirect_vreg.gather [hbm4b:s1+s3], $0x80, v4, vm0, $0xb8;
	[tilespmem:$0x18400] =	vst v63  }
0x244: {  	s30 =	simm.s32 $0x9C00;
	v3 =	vadd.s32 v1, v3  }
0x245: {  	[tilespmem:s30], [sflag:$0x1] =	stream.indirect_vreg.gather [hbm4b:s5+s3], $0x80, v4, vm0, $0xb8;
	[tilespmem:$0x18400] =	vst v63  }
0x246: {  	s13 =	simm.s32 $0xA400  }
0x247: {  	[tilespmem:s13], [sflag:$0x1] =	stream.indirect_vreg.gather [hbm4b:s6+s3], $0x80, v4, vm0, $0xb8;
	[tilespmem:$0x18400] =	vst v63  }
0x248: {  	s14 =	simm.s32 $0xAC00  }
0x249: {  	[tilespmem:s14], [sflag:$0x1] =	stream.indirect_vreg.gather [hbm4b:s1+s3], $0x80, v3, vm0, $0xb8;
	[tilespmem:$0x18400] =	vst v63  }
0x24a: {  	s15 =	simm.s32 $0xB400  }
0x24b: {  	[tilespmem:s15], [sflag:$0x1] =	stream.indirect_vreg.gather [hbm4b:s5+s3], $0x80, v3, vm0, $0xb8;
	[tilespmem:$0x18400] =	vst v63  }
0x24c: {  	s25 =	simm.s32 $0xBC00  }
0x24d: {  	[tilespmem:s25], [sflag:$0x1] =	stream.indirect_vreg.gather [hbm4b:s6+s3], $0x80, v3, vm0, $0xb8;
	[tilespmem:$0x18400] =	vst v63  }
0x24e: {  	_ =	swait.ge [sflag:s10], $0xC000  }
0x24f: {  	[sflag:s10] =	ssyncset.done $0x0  }
0x250: {  	s26 =	rddreg [dreg:$0x9];
	[sflag:s10] =	ssyncadd.s32 $0xFFFF4000  }
0x251: {  	[hbm4b:s26+s3] =	stream.linear.scatter [tilespmem:s4], [sflag:$0x4], $0xC000, $0x38;
	[tilespmem:$0x18400] =	vst v63  }
0x252: {  	_ =	swait.ge [sflag:s11], $0xC000  }
0x253: {  	[sflag:s11] =	ssyncset.done $0x0  }
0x254: {  	[sflag:s11] =	ssyncadd.s32 $0xFFFF4000  }
0x255: {  	v3 =	vld [tilespmem:$0x380];
	_ =	sdelay $0x4  }
0x256: {  	v60 =	vshrl.u32 v3, $0x3  }
0x257: {  	v4 =	vmul.u32 $0x30, v60  }
0x258: {  	v3 =	vand.u32 $0x7, v3  }
0x259: {  	v3 =	vor.u32 v3, v4  }
0x25a: {  	v4 =	vperm.xlane v3, v0;
	_ =	sdelay $0x1  }
0x25b: {  	v4 =	vadd.s32 v1, v4;
	_ =	sdelay $0x3  }
0x25c: {  	v3 =	vperm.xlane v3, v2  }
0x25d: {  	[tilespmem:s4], [sflag:$0x2] =	stream.indirect_vreg.gather [hbm4b:s1+s3], $0x80, v4, vm0, $0xb8;
	[tilespmem:$0x18400] =	vst v63  }
0x25e: {  	s31 =	simm.s32 $0xCC00;
	v3 =	vadd.s32 v1, v3  }
0x25f: {  	[tilespmem:s31], [sflag:$0x2] =	stream.indirect_vreg.gather [hbm4b:s5+s3], $0x80, v4, vm0, $0xb8;
	[tilespmem:$0x18400] =	vst v63  }
0x260: {  	s19 =	simm.s32 $0xD400  }
0x261: {  	[tilespmem:s19], [sflag:$0x2] =	stream.indirect_vreg.gather [hbm4b:s6+s3], $0x80, v4, vm0, $0xb8;
	[tilespmem:$0x18400] =	vst v63  }
0x262: {  	s28 =	simm.s32 $0xDC00  }
0x263: {  	[tilespmem:s28], [sflag:$0x2] =	stream.indirect_vreg.gather [hbm4b:s1+s3], $0x80, v3, vm0, $0xb8;
	[tilespmem:$0x18400] =	vst v63  }
0x264: {  	s29 =	simm.s32 $0xE400  }
0x265: {  	[tilespmem:s29], [sflag:$0x2] =	stream.indirect_vreg.gather [hbm4b:s5+s3], $0x80, v3, vm0, $0xb8;
	[tilespmem:$0x18400] =	vst v63  }
0x266: {  	s30 =	simm.s32 $0xEC00  }
0x267: {  	[tilespmem:s30], [sflag:$0x2] =	stream.indirect_vreg.gather [hbm4b:s6+s3], $0x80, v3, vm0, $0xb8;
	[tilespmem:$0x18400] =	vst v63  }
0x268: {  	v3 =	vld [tilespmem:$0x390];
	_ =	sdelay $0x4  }
0x269: {  	v61 =	vshrl.u32 v3, $0x3  }
0x26a: {  	v4 =	vmul.u32 $0x30, v61  }
0x26b: {  	v3 =	vand.u32 $0x7, v3  }
0x26c: {  	v3 =	vor.u32 v3, v4  }
0x26d: {  	v4 =	vperm.xlane v3, v0;
	_ =	sdelay $0x1  }
0x26e: {  	v4 =	vadd.s32 v1, v4;
	_ =	sdelay $0x3  }
0x26f: {  	s31 =	simm.s32 $0xF400;
	v3 =	vperm.xlane v3, v2  }
0x270: {  	[tilespmem:s31], [sflag:$0x2] =	stream.indirect_vreg.gather [hbm4b:s1+s3], $0x80, v4, vm0, $0xb8;
	[tilespmem:$0x18400] =	vst v63  }
0x271: {  	s9 =	simm.s32 $0xFC00;
	v3 =	vadd.s32 v1, v3  }
0x272: {  	[tilespmem:s9], [sflag:$0x2] =	stream.indirect_vreg.gather [hbm4b:s5+s3], $0x80, v4, vm0, $0xb8;
	[tilespmem:$0x18400] =	vst v63  }
0x273: {  	s12 =	simm.s32 $0x10400  }
0x274: {  	[tilespmem:s12], [sflag:$0x2] =	stream.indirect_vreg.gather [hbm4b:s6+s3], $0x80, v4, vm0, $0xb8;
	[tilespmem:$0x18400] =	vst v63  }
0x275: {  	s13 =	simm.s32 $0x10C00  }
0x276: {  	[tilespmem:s13], [sflag:$0x2] =	stream.indirect_vreg.gather [hbm4b:s1+s3], $0x80, v3, vm0, $0xb8;
	[tilespmem:$0x18400] =	vst v63  }
0x277: {  	s14 =	simm.s32 $0x11400  }
0x278: {  	[tilespmem:s14], [sflag:$0x2] =	stream.indirect_vreg.gather [hbm4b:s5+s3], $0x80, v3, vm0, $0xb8;
	[tilespmem:$0x18400] =	vst v63  }
0x279: {  	s15 =	simm.s32 $0x11C00  }
0x27a: {  	[tilespmem:s15], [sflag:$0x2] =	stream.indirect_vreg.gather [hbm4b:s6+s3], $0x80, v3, vm0, $0xb8;
	[tilespmem:$0x18400] =	vst v63  }
0x27b: {  	v3 =	vld [tilespmem:$0x3A0];
	_ =	sdelay $0x4  }
0x27c: {  	v62 =	vshrl.u32 v3, $0x3  }
0x27d: {  	v4 =	vmul.u32 $0x30, v62  }
0x27e: {  	v3 =	vand.u32 $0x7, v3  }
0x27f: {  	v3 =	vor.u32 v3, v4  }
0x280: {  	v4 =	vperm.xlane v3, v0;
	_ =	sdelay $0x1  }
0x281: {  	v4 =	vadd.s32 v1, v4;
	_ =	sdelay $0x3  }
0x282: {  	s16 =	simm.s32 $0x12400;
	v3 =	vperm.xlane v3, v2  }
0x283: {  	[tilespmem:s16], [sflag:$0x2] =	stream.indirect_vreg.gather [hbm4b:s1+s3], $0x80, v4, vm0, $0xb8;
	[tilespmem:$0x18400] =	vst v63  }
0x284: {  	s17 =	simm.s32 $0x12C00;
	v3 =	vadd.s32 v1, v3  }
0x285: {  	[tilespmem:s17], [sflag:$0x2] =	stream.indirect_vreg.gather [hbm4b:s5+s3], $0x80, v4, vm0, $0xb8;
	[tilespmem:$0x18400] =	vst v63  }
0x286: {  	s19 =	simm.s32 $0x13400  }
0x287: {  	[tilespmem:s19], [sflag:$0x2] =	stream.indirect_vreg.gather [hbm4b:s6+s3], $0x80, v4, vm0, $0xb8;
	[tilespmem:$0x18400] =	vst v63  }
0x288: {  	s20 =	simm.s32 $0x13C00  }
0x289: {  	[tilespmem:s20], [sflag:$0x2] =	stream.indirect_vreg.gather [hbm4b:s1+s3], $0x80, v3, vm0, $0xb8;
	[tilespmem:$0x18400] =	vst v63  }
0x28a: {  	s21 =	simm.s32 $0x14400  }
0x28b: {  	[tilespmem:s21], [sflag:$0x2] =	stream.indirect_vreg.gather [hbm4b:s5+s3], $0x80, v3, vm0, $0xb8;
	[tilespmem:$0x18400] =	vst v63  }
0x28c: {  	s22 =	simm.s32 $0x14C00  }
0x28d: {  	[tilespmem:s22], [sflag:$0x2] =	stream.indirect_vreg.gather [hbm4b:s6+s3], $0x80, v3, vm0, $0xb8;
	[tilespmem:$0x18400] =	vst v63  }
0x28e: {  	v3 =	vld [tilespmem:$0x3B0];
	_ =	sdelay $0x4  }
0x28f: {  	v63 =	vshrl.u32 v3, $0x3  }
0x290: {  	v4 =	vmul.u32 $0x30, v63  }
0x291: {  	v3 =	vand.u32 $0x7, v3  }
0x292: {  	v3 =	vor.u32 v3, v4  }
0x293: {  	v4 =	vperm.xlane v3, v0;
	_ =	sdelay $0x1  }
0x294: {  	v4 =	vadd.s32 v1, v4;
	_ =	sdelay $0x3  }
0x295: {  	s23 =	simm.s32 $0x15400;
	v3 =	vperm.xlane v3, v2  }
0x296: {  	[tilespmem:s23], [sflag:$0x2] =	stream.indirect_vreg.gather [hbm4b:s1+s3], $0x80, v4, vm0, $0xb8;
	[tilespmem:$0x18400] =	vst v63  }
0x297: {  	s24 =	simm.s32 $0x15C00;
	v3 =	vadd.s32 v1, v3  }
0x298: {  	[tilespmem:s24], [sflag:$0x2] =	stream.indirect_vreg.gather [hbm4b:s5+s3], $0x80, v4, vm0, $0xb8;
	[tilespmem:$0x18400] =	vst v63  }
0x299: {  	s25 =	simm.s32 $0x16400  }
0x29a: {  	[tilespmem:s25], [sflag:$0x2] =	stream.indirect_vreg.gather [hbm4b:s6+s3], $0x80, v4, vm0, $0xb8;
	[tilespmem:$0x18400] =	vst v63  }
0x29b: {  	s26 =	simm.s32 $0x16C00  }
0x29c: {  	[tilespmem:s26], [sflag:$0x2] =	stream.indirect_vreg.gather [hbm4b:s1+s3], $0x80, v3, vm0, $0xb8;
	[tilespmem:$0x18400] =	vst v63  }
0x29d: {  	s28 =	simm.s32 $0x17400  }
0x29e: {  	[tilespmem:s28], [sflag:$0x2] =	stream.indirect_vreg.gather [hbm4b:s5+s3], $0x80, v3, vm0, $0xb8;
	[tilespmem:$0x18400] =	vst v63  }
0x29f: {  	s29 =	simm.s32 $0x17C00  }
0x2a0: {  	[tilespmem:s29], [sflag:$0x2] =	stream.indirect_vreg.gather [hbm4b:s6+s3], $0x80, v3, vm0, $0xb8;
	[tilespmem:$0x18400] =	vst v63  }
0x2a1: {  	_ =	swait.ge [sflag:s0], $0xC000  }
0x2a2: {  	[sflag:s0] =	ssyncset.done $0x0  }
0x2a3: {  	s30 =	rddreg [dreg:$0xa];
	[sflag:s0] =	ssyncadd.s32 $0xFFFF4000  }
0x2a4: {  	[hbm4b:s30+s3] =	stream.linear.scatter [tilespmem:s18], [sflag:$0x3], $0xC000, $0x38;
	[tilespmem:$0x18400] =	vst v63  }
0x2a5: {  	_ =	swait.ge [sflag:s10], $0xC000  }
0x2a6: {  	[sflag:s10] =	ssyncset.done $0x0  }
0x2a7: {  	s31 =	rddreg [dreg:$0xb];
	[sflag:s10] =	ssyncadd.s32 $0xFFFF4000  }
0x2a8: {  	[hbm4b:s31+s3] =	stream.linear.scatter [tilespmem:s4], [sflag:$0x4], $0xC000, $0x38;
	[tilespmem:$0x18400] =	vst v63  }
0x2a9: {  	p0 =	sne.s32 s7, $0x1;
	_ =	swait.ge [sflag:s8], $0xC000  }
.Ltmp0:
0x2aa: {  	[sflag:s8] =	ssyncset.done $0x0;
	(pc) =	sbr.rel @p0 .LBB2_1-.Ltmp0, $4  }
0x2ab: {  	[sflag:s8] =	ssyncadd.s32 $0xFFFF4000  }
0x2ac: {  	_ =	swait.ge [sflag:s11], $0xC000  }
0x2ad: {  	[sflag:s11] =	ssyncset.done $0x0  }
0x2ae: {  	s7 =	sadd.s32 $0xFFFFFFFF, s7;
	[sflag:s11] =	ssyncadd.s32 $0xFFFF4000  }
0x2af: {  	_ =	sfence.sel $0x180000  }
0x2b0: {  	[bflag:$0x0] =	sbarrier.arrive $0xFFFF  }
0x2b1: {  	_ =	strace $0x90000047  }
0x2b2: {  	s0 =	stileid.u32;
	[bflag:$0x2] =	sbarrier.arrive $0xFFFF  }
0x2b3: {  	p0 =	sne.s32 s0, $0x0;
	s0 =	rddreg [dreg:$0x3]  }
0x2b4: {  	s0 =	sadd.s32 @!p0 $0x100000, s0  }
0x2b5: {  	[sflag:s0] =	ssyncadd.tile.s32 @!p0 $0x1;
	_ =	shalt  }
.Lfunc_end2:
_tile_overlayer_lowered:
.L_overlay_start_2:
0x2b6: {  	(tag) =	ssettag $0x2  }
0x2b7: {  	s0 =	rddreg [dreg:$0x0];
	s2 =	stileid.u32  }
0x2b8: {  	s1 =	rddreg [dreg:$0x1];
	p0 =	sne.s32 s2, $0x0  }
0x2b9: {  	s3 =	rddreg [dreg:$0x2];
	[bflag:$0x3] =	sbarrier.arrive $0xFFFF;
	s2 =	simm.s32 @!p0 $0x1C05  }
0x2ba: {  	[timem:s3], [sflag:s2] =	dma.local @!p0 [hbm:s0], s1  }
0x2bb: {  	s0 =	simm.s32 @!p0 $0x5  }
0x2bc: {  	_ =	swait.ge @!p0 [sflag:s0], s1  }
0x2bd: {  	s1 =	ssub.s32 @!p0 $0x0, s1;
	[sflag:s0] =	ssyncset.done @!p0 $0x0  }
0x2be: {  	[sflag:s0] =	ssyncadd.s32 @!p0 s1  }
0x2bf: {  	[bflag:$0x3] =	sbarrier.arrive $0xFFFF  }
0x2c0: {  	_ =	shalt  }

</sc_bundles>
